<compile_context>
chip_gen: v7x
topology: tpu7x:2x2x1
jax: 0.10.2.dev20260603
libtpu: 0.0.44.dev20260713+nightly
codegen_flags: <defaults>
</compile_context>

<pallas_src>
import functools

import jax
import jax.numpy as jnp
from jax import lax
from jax.experimental import pallas as pl
from jax.experimental.pallas import tpu as pltpu
from jax.experimental.pallas import tpu_sc as plsc

_EMBED = 768
_SEQ = 2048
_BATCH = 16
_NKEYS = 100
_KEYS_PAD = 104
_TOPK = 3

_TAIL = 64
_HEAD = _SEQ - _TAIL
_NTILES = 32
_SPLIT = 2
_ROWS_PER_TILE = _TAIL // _SPLIT
_CHUNK_ROWS = min(64, _ROWS_PER_TILE)
_NCHUNKS = _ROWS_PER_TILE // _CHUNK_ROWS
_VPR = _EMBED // 16


def _tc_head_body(x_ref, out_ref):
    c = pl.program_id(0)
    out_ref[pl.ds(c, 1), :] = jnp.sum(x_ref[0], axis=0, keepdims=True)


def _tc_head_sums(x):
    return pl.pallas_call(
        _tc_head_body,
        grid=(_BATCH,),
        in_specs=[pl.BlockSpec((1, _HEAD, _EMBED), lambda c: (c, 0, 0))],
        out_specs=pl.BlockSpec((_BATCH, _EMBED), lambda c: (0, 0)),
        out_shape=jax.ShapeDtypeStruct((_BATCH, _EMBED), jnp.float32),
        compiler_params=pltpu.CompilerParams(
            dimension_semantics=("arbitrary",)),
    )(x)


def _sc_tail_sums(x):
    mesh = plsc.VectorSubcoreMesh(core_axis_name="c", subcore_axis_name="s")
    nc = plsc.get_sparse_core_info().num_cores

    @functools.partial(
        pl.kernel,
        mesh=mesh,
        out_type=jax.ShapeDtypeStruct((_SPLIT, _BATCH, _EMBED), jnp.float32),
        scratch_types=[
            pltpu.VMEM((_CHUNK_ROWS, _EMBED), jnp.float32),
            pltpu.VMEM((_CHUNK_ROWS, _EMBED), jnp.float32),
            pltpu.VMEM((_EMBED,), jnp.float32),
            pltpu.SemaphoreType.DMA,
            pltpu.SemaphoreType.DMA,
        ],
    )
    def run(x_hbm, st_hbm, buf0, buf1, acc_v, sem0, sem1):
        wid = lax.axis_index("s") * nc + lax.axis_index("c")
        b = wid // _SPLIT
        h = wid % _SPLIT
        row0 = _HEAD + h * _ROWS_PER_TILE

        bufs = (buf0, buf1)
        sems = (sem0, sem1)

        def start(g):
            return pltpu.async_copy(
                x_hbm.at[b, pl.ds(row0 + g * _CHUNK_ROWS, _CHUNK_ROWS), :],
                bufs[g % 2], sems[g % 2])

        def accum(buf, accs, lo):
            def body(r, carry):
                return tuple(
                    carry[j] + buf[r, pl.ds((lo + j) * 16, 16)]
                    for j in range(len(carry)))
            return lax.fori_loop(0, _CHUNK_ROWS, body, accs)

        half = _VPR // 2
        zero = jnp.zeros((16,), jnp.float32)
        accs_lo = (zero,) * half
        accs_hi = (zero,) * half

        cp = start(0)
        for g in range(_NCHUNKS):
            cp.wait()
            if g + 1 < _NCHUNKS:
                cp = start(g + 1)
            buf = bufs[g % 2]
            accs_lo = accum(buf, accs_lo, 0)
            accs_hi = accum(buf, accs_hi, half)

        for j in range(half):
            acc_v[pl.ds(j * 16, 16)] = accs_lo[j]
            acc_v[pl.ds((half + j) * 16, 16)] = accs_hi[j]
        pltpu.sync_copy(acc_v, st_hbm.at[h, b])

    return run(x)


def _tc_merge_body(pk_ref, sh_ref, st_ref, sim_ref, tv_ref, ti_ref, red_ref):
    total = sh_ref[...] + st_ref[0] + st_ref[1]
    xm = total * (1.0 / _SEQ)
    ss = jnp.sum(xm * xm, axis=-1, keepdims=True)
    xn = xm * lax.rsqrt(jnp.maximum(ss, 1e-12))
    pk = pk_ref[...]
    ps = jnp.sum(pk * pk, axis=-1, keepdims=True)
    pkn = pk * lax.rsqrt(jnp.maximum(ps, 1e-12))
    sim = lax.dot_general(xn, pkn, (((1,), (1,)), ((), ())),
                          preferred_element_type=jnp.float32)
    kiota = lax.broadcasted_iota(jnp.int32, (_BATCH, _KEYS_PAD), 1)
    s = jnp.where(kiota < _NKEYS, sim, -3.0)
    sim_ref[...] = s[:, :_NKEYS]

    vals = []
    idxs = []
    for _ in range(_TOPK):
        m = jnp.max(s, axis=1, keepdims=True)
        i = jnp.min(jnp.where(s == m, kiota, _KEYS_PAD), axis=1,
                    keepdims=True)
        vals.append(m)
        idxs.append(i)
        s = jnp.where(kiota == i, -4.0, s)
    tv = jnp.concatenate(vals, axis=1)
    tv_ref[...] = tv
    ti_ref[...] = jnp.concatenate(idxs, axis=1)
    red_ref[...] = jnp.sum(tv, keepdims=True).reshape(1, 1) * (1.0 / _BATCH)


def _tc_merge(prompt_key, sh, st):
    return pl.pallas_call(
        _tc_merge_body,
        grid=(1,),
        in_specs=[
            pl.BlockSpec((_KEYS_PAD, _EMBED), lambda c: (0, 0)),
            pl.BlockSpec((_BATCH, _EMBED), lambda c: (0, 0)),
            pl.BlockSpec((_SPLIT, _BATCH, _EMBED), lambda c: (0, 0, 0)),
        ],
        out_specs=[
            pl.BlockSpec((_BATCH, _NKEYS), lambda c: (0, 0)),
            pl.BlockSpec((_BATCH, _TOPK), lambda c: (0, 0)),
            pl.BlockSpec((_BATCH, _TOPK), lambda c: (0, 0)),
            pl.BlockSpec((1, 1), lambda c: (0, 0)),
        ],
        out_shape=[
            jax.ShapeDtypeStruct((_BATCH, _NKEYS), jnp.float32),
            jax.ShapeDtypeStruct((_BATCH, _TOPK), jnp.float32),
            jax.ShapeDtypeStruct((_BATCH, _TOPK), jnp.int32),
            jax.ShapeDtypeStruct((1, 1), jnp.float32),
        ],
    )(prompt_key, sh, st)


def kernel(x_embed, y, task_id, prompt_key):
    sh = _tc_head_sums(x_embed)
    st = _sc_tail_sums(x_embed)
    sim, topk_sim, topk_idx, red = _tc_merge(prompt_key, sh, st)
    return (sim, topk_sim, topk_idx, red.reshape(()))

# --- scband reference (transcript-rebuilt; emitter-appended) ---
"""Pipeline reference for scband-lprompt-68891275428195 (READ-ONLY COPY).

The authoritative reference and input builder live on the scoring server;
editing this copy changes nothing except your own understanding.
"""

import jax, jax.numpy as jnp
import numpy as np

EMBED_DIM = 768
NUM_CLASSES = 1000
NUM_TASKS = 10
LMAX = NUM_CLASSES // NUM_TASKS  # lmax_list[-1] after one process_new_task call
TOP_K_L = 3
BATCH = 16
SEQ = 2048


def l2_normalize(x, axis=-1, epsilon=1e-12):
    square_sum = jnp.sum(x * x, axis=axis, keepdims=True)
    x_inv_norm = jax.lax.rsqrt(jnp.maximum(square_sum, epsilon))
    return x * x_inv_norm


def setup_inputs(seed: int = 0):
    key = jax.random.key(seed)
    k1, k2, k3 = jax.random.split(key, 3)
    x_embed = jax.random.normal(k1, (BATCH, SEQ, EMBED_DIM), dtype=jnp.float32)
    y = jax.random.randint(k2, (BATCH,), 0, NUM_CLASSES, dtype=jnp.int32)
    # prompt_key parameter, prompt_key_init='uniform' -> nn.init.uniform_(-1, 1)
    prompt_key = jax.random.uniform(k3, (NUM_CLASSES, EMBED_DIM), dtype=jnp.float32, minval=-1.0, maxval=1.0)
    return {"x_embed": x_embed, "y": y, "task_id": 0, "prompt_key": prompt_key}


def reference(x_embed, y, task_id, prompt_key):
    # embedding_key == 'mean'
    x_embed_mean = jnp.mean(x_embed, axis=1)
    # after process_new_task(0, prompts_per_task): lmax_list=[100], kmax_list=[5]
    fl = LMAX
    # training branch with task_id == 0 -> sl = 0 (same slice as eval branch)
    sl = 0
    pk = prompt_key[sl:fl]
    prompt_key_norm = l2_normalize(pk, axis=-1)
    x_embed_norm = l2_normalize(x_embed_mean, axis=-1)
    # similarity between normalized keys and normalized batch embeddings
    similarity = jnp.matmul(prompt_key_norm, x_embed_norm.T).T  # [B, fl]
    topk_sim, topk_idx = jax.lax.top_k(similarity, TOP_K_L)
    reduce_sim = jnp.sum(topk_sim) / x_embed.shape[0]
    return (similarity, topk_sim, topk_idx, reduce_sim)

if __name__ == "__main__":
    import jax
    _d = setup_inputs()
    print(jax.jit(kernel)(*tuple(_d.values())))

</pallas_src>

<mosaic_0001>
#map = affine_map<(d0, d1) -> (0, 0, 0)>
module attributes {stable_mosaic.version = 14 : i64} {
  func.func @run(%arg0: i32, %arg1: i32, %arg2: memref<16x2048x768xf32, #tpu.memory_space<hbm>>, %arg3: memref<2x16x768xf32, #tpu.memory_space<hbm>>, %arg4: memref<32x768xf32, #tpu.memory_space<vmem>>, %arg5: memref<32x768xf32, #tpu.memory_space<vmem>>, %arg6: memref<768xf32, #tpu.memory_space<vmem>>, %arg7: memref<!tpu.dma_semaphore, #tpu.memory_space<semaphore_mem>>, %arg8: memref<!tpu.dma_semaphore, #tpu.memory_space<semaphore_mem>>) attributes {dimension_semantics = [#tpu.dimension_semantics<core_parallel>, #tpu.dimension_semantics<subcore_parallel>], iteration_bounds = array<i64: 2, 16>, scalar_prefetch = 0 : i64, scratch_operands = 5 : i64, tpu.core_type = #tpu.core_type<sc_vector_subcore>, window_params = [{transform_indices = #map}, {transform_indices = #map}]} {
    %mul3A = arith.constant 2 : i32
    %mul3A_0 = arith.muli %arg1, %mul3A : i32
    %add3A = arith.addi %mul3A_0, %arg0 : i32
    %jit3A = arith.constant 2 : i32
    %div3A = arith.divsi %add3A, %jit3A : i32
    %sign3A = arith.constant 0 : i32
    %sign3A_1 = arith.cmpi sgt, %add3A, %sign3A : i32
    %sign3A_2 = arith.extui %sign3A_1 : i1 to i32
    %sign3A_3 = arith.constant 0 : i32
    %sign3A_4 = arith.cmpi slt, %add3A, %sign3A_3 : i32
    %sign3A_5 = arith.extui %sign3A_4 : i1 to i32
    %sign3A_6 = arith.subi %sign3A_2, %sign3A_5 : i32
    %sign3A_7 = arith.constant 0 : i32
    %sign3A_8 = arith.cmpi sgt, %jit3A, %sign3A_7 : i32
    %sign3A_9 = arith.extui %sign3A_8 : i1 to i32
    %sign3A_10 = arith.constant 0 : i32
    %sign3A_11 = arith.cmpi slt, %jit3A, %sign3A_10 : i32
    %sign3A_12 = arith.extui %sign3A_11 : i1 to i32
    %sign3A_13 = arith.subi %sign3A_9, %sign3A_12 : i32
    %ne3A = arith.cmpi ne, %sign3A_6, %sign3A_13 : i32
    %rem3A = arith.remsi %add3A, %jit3A : i32
    %ne3A_14 = arith.constant 0 : i32
    %ne3A_15 = arith.cmpi ne, %rem3A, %ne3A_14 : i32
    %and3A = arith.andi %ne3A, %ne3A_15 : i1
    %sub3A = arith.constant 1 : i32
    %sub3A_16 = arith.subi %div3A, %sub3A : i32
    %select_n3A = arith.select %and3A, %sub3A_16, %div3A : i32
    %jit3A_17 = arith.constant 2 : i32
    %eq3A = arith.constant 0 : i32
    %eq3A_18 = arith.cmpi eq, %jit3A_17, %eq3A : i32
    %jit3A_19 = arith.constant 1 : i32
    %select_n3A_20 = arith.select %eq3A_18, %jit3A_19, %jit3A_17 : i32
    %rem3A_21 = arith.remsi %add3A, %select_n3A_20 : i32
    %ne3A_22 = arith.constant 0 : i32
    %ne3A_23 = arith.cmpi ne, %rem3A_21, %ne3A_22 : i32
    %lt3A = arith.constant 0 : i32
    %lt3A_24 = arith.cmpi slt, %rem3A_21, %lt3A : i32
    %lt3A_25 = arith.constant 0 : i32
    %lt3A_26 = arith.cmpi slt, %select_n3A_20, %lt3A_25 : i32
    %ne3A_27 = arith.xori %lt3A_24, %lt3A_26 : i1
    %and3A_28 = arith.andi %ne3A_27, %ne3A_23 : i1
    %add3A_29 = arith.addi %rem3A_21, %select_n3A_20 : i32
    %select_n3A_30 = arith.select %and3A_28, %add3A_29, %rem3A_21 : i32
    %mul3A_31 = arith.constant 32 : i32
    %mul3A_32 = arith.muli %select_n3A_30, %mul3A_31 : i32
    %add3A_33 = arith.constant 1984 : i32
    %add3A_34 = arith.addi %add3A_33, %mul3A_32 : i32
    %broadcast_in_dim3A = arith.constant 0.000000e+00 : f32
    %broadcast_in_dim3A_35 = vector.broadcast %broadcast_in_dim3A : f32 to vector<16xf32>
    %add3A_36 = arith.constant 0 : i32
    %add3A_37 = arith.addi %add3A_34, %add3A_36 : i32
    %dma_start3A = arith.constant 0 : i32
    %dma_start3A_38 = tpu.memref_slice %arg2[%select_n3A, %add3A_37, %dma_start3A] : memref<16x2048x768xf32, #tpu.memory_space<hbm>> -> memref<1x32x768xf32, #tpu.memory_space<hbm>>
    %dma_start3A_39 = tpu.memref_squeeze %dma_start3A_38 : memref<1x32x768xf32, #tpu.memory_space<hbm>> -> memref<32x768xf32, #tpu.memory_space<hbm>>
    %dma_start3A_40 = arith.constant 0 : i32
    %dma_start3A_41 = tpu.memref_slice %arg2[%select_n3A, %add3A_37, %dma_start3A_40] : memref<16x2048x768xf32, #tpu.memory_space<hbm>> -> memref<1x32x768xf32, #tpu.memory_space<hbm>>
    %dma_start3A_42 = tpu.memref_squeeze %dma_start3A_41 : memref<1x32x768xf32, #tpu.memory_space<hbm>> -> memref<32x768xf32, #tpu.memory_space<hbm>>
    tpu.enqueue_dma source(%dma_start3A_42 : memref<32x768xf32, #tpu.memory_space<hbm>>) target(%arg4 : memref<32x768xf32, #tpu.memory_space<vmem>>) target_semaphore(%arg7 : memref<!tpu.dma_semaphore, #tpu.memory_space<semaphore_mem>>)
    %dma_wait3A = arith.constant 0 : i32
    %dma_wait3A_43 = tpu.memref_slice %arg2[%select_n3A, %add3A_37, %dma_wait3A] : memref<16x2048x768xf32, #tpu.memory_space<hbm>> -> memref<1x32x768xf32, #tpu.memory_space<hbm>>
    %dma_wait3A_44 = tpu.memref_squeeze %dma_wait3A_43 : memref<1x32x768xf32, #tpu.memory_space<hbm>> -> memref<32x768xf32, #tpu.memory_space<hbm>>
    %dma_wait3A_45 = arith.constant 0 : i32
    %dma_wait3A_46 = tpu.memref_slice %arg2[%select_n3A, %add3A_37, %dma_wait3A_45] : memref<16x2048x768xf32, #tpu.memory_space<hbm>> -> memref<1x32x768xf32, #tpu.memory_space<hbm>>
    %dma_wait3A_47 = tpu.memref_squeeze %dma_wait3A_46 : memref<1x32x768xf32, #tpu.memory_space<hbm>> -> memref<32x768xf32, #tpu.memory_space<hbm>>
    tpu.wait_dma2 semaphore(%arg7 : memref<!tpu.dma_semaphore, #tpu.memory_space<semaphore_mem>>) src(%dma_wait3A_47 : memref<32x768xf32, #tpu.memory_space<hbm>>) dst(%arg4 : memref<32x768xf32, #tpu.memory_space<vmem>>)
    %scan3A = arith.constant 0 : i32
    %scan3A_48 = arith.constant 32 : i32
    %scan3A_49 = arith.addi %scan3A, %scan3A_48 : i32
    %scan3A_50 = arith.constant 1 : i32
    %scan3A_51:24 = scf.for %scan3A_250 = %scan3A to %scan3A_49 step %scan3A_50 iter_args(%scan3A_251 = %broadcast_in_dim3A_35, %scan3A_252 = %broadcast_in_dim3A_35, %scan3A_253 = %broadcast_in_dim3A_35, %scan3A_254 = %broadcast_in_dim3A_35, %scan3A_255 = %broadcast_in_dim3A_35, %scan3A_256 = %broadcast_in_dim3A_35, %scan3A_257 = %broadcast_in_dim3A_35, %scan3A_258 = %broadcast_in_dim3A_35, %scan3A_259 = %broadcast_in_dim3A_35, %scan3A_260 = %broadcast_in_dim3A_35, %scan3A_261 = %broadcast_in_dim3A_35, %scan3A_262 = %broadcast_in_dim3A_35, %scan3A_263 = %broadcast_in_dim3A_35, %scan3A_264 = %broadcast_in_dim3A_35, %scan3A_265 = %broadcast_in_dim3A_35, %scan3A_266 = %broadcast_in_dim3A_35, %scan3A_267 = %broadcast_in_dim3A_35, %scan3A_268 = %broadcast_in_dim3A_35, %scan3A_269 = %broadcast_in_dim3A_35, %scan3A_270 = %broadcast_in_dim3A_35, %scan3A_271 = %broadcast_in_dim3A_35, %scan3A_272 = %broadcast_in_dim3A_35, %scan3A_273 = %broadcast_in_dim3A_35, %scan3A_274 = %broadcast_in_dim3A_35) -> (vector<16xf32>, vector<16xf32>, vector<16xf32>, vector<16xf32>, vector<16xf32>, vector<16xf32>, vector<16xf32>, vector<16xf32>, vector<16xf32>, vector<16xf32>, vector<16xf32>, vector<16xf32>, vector<16xf32>, vector<16xf32>, vector<16xf32>, vector<16xf32>, vector<16xf32>, vector<16xf32>, vector<16xf32>, vector<16xf32>, vector<16xf32>, vector<16xf32>, vector<16xf32>, vector<16xf32>)  : i32 {
      %get3A = arith.index_cast %scan3A_250 : i32 to index
      %get3A_275 = arith.constant 0 : index
      %get3A_276 = tpu.vector_load %arg4[%get3A, %get3A_275] {strides = array<i32>} : memref<32x768xf32, #tpu.memory_space<vmem>>, vector<1x16xf32>,
      %get3A_277 = vector.shape_cast %get3A_276 : vector<1x16xf32> to vector<16xf32>
      %add3A_278 = arith.addf %scan3A_251, %get3A_277 : vector<16xf32>
      %get3A_279 = arith.index_cast %scan3A_250 : i32 to index
      %get3A_280 = arith.constant 16 : index
      %get3A_281 = tpu.vector_load %arg4[%get3A_279, %get3A_280] {strides = array<i32>} : memref<32x768xf32, #tpu.memory_space<vmem>>, vector<1x16xf32>,
      %get3A_282 = vector.shape_cast %get3A_281 : vector<1x16xf32> to vector<16xf32>
      %add3A_283 = arith.addf %scan3A_252, %get3A_282 : vector<16xf32>
      %get3A_284 = arith.index_cast %scan3A_250 : i32 to index
      %get3A_285 = arith.constant 32 : index
      %get3A_286 = tpu.vector_load %arg4[%get3A_284, %get3A_285] {strides = array<i32>} : memref<32x768xf32, #tpu.memory_space<vmem>>, vector<1x16xf32>,
      %get3A_287 = vector.shape_cast %get3A_286 : vector<1x16xf32> to vector<16xf32>
      %add3A_288 = arith.addf %scan3A_253, %get3A_287 : vector<16xf32>
      %get3A_289 = arith.index_cast %scan3A_250 : i32 to index
      %get3A_290 = arith.constant 48 : index
      %get3A_291 = tpu.vector_load %arg4[%get3A_289, %get3A_290] {strides = array<i32>} : memref<32x768xf32, #tpu.memory_space<vmem>>, vector<1x16xf32>,
      %get3A_292 = vector.shape_cast %get3A_291 : vector<1x16xf32> to vector<16xf32>
      %add3A_293 = arith.addf %scan3A_254, %get3A_292 : vector<16xf32>
      %get3A_294 = arith.index_cast %scan3A_250 : i32 to index
      %get3A_295 = arith.constant 64 : index
      %get3A_296 = tpu.vector_load %arg4[%get3A_294, %get3A_295] {strides = array<i32>} : memref<32x768xf32, #tpu.memory_space<vmem>>, vector<1x16xf32>,
      %get3A_297 = vector.shape_cast %get3A_296 : vector<1x16xf32> to vector<16xf32>
      %add3A_298 = arith.addf %scan3A_255, %get3A_297 : vector<16xf32>
      %get3A_299 = arith.index_cast %scan3A_250 : i32 to index
      %get3A_300 = arith.constant 80 : index
      %get3A_301 = tpu.vector_load %arg4[%get3A_299, %get3A_300] {strides = array<i32>} : memref<32x768xf32, #tpu.memory_space<vmem>>, vector<1x16xf32>,
      %get3A_302 = vector.shape_cast %get3A_301 : vector<1x16xf32> to vector<16xf32>
      %add3A_303 = arith.addf %scan3A_256, %get3A_302 : vector<16xf32>
      %get3A_304 = arith.index_cast %scan3A_250 : i32 to index
      %get3A_305 = arith.constant 96 : index
      %get3A_306 = tpu.vector_load %arg4[%get3A_304, %get3A_305] {strides = array<i32>} : memref<32x768xf32, #tpu.memory_space<vmem>>, vector<1x16xf32>,
      %get3A_307 = vector.shape_cast %get3A_306 : vector<1x16xf32> to vector<16xf32>
      %add3A_308 = arith.addf %scan3A_257, %get3A_307 : vector<16xf32>
      %get3A_309 = arith.index_cast %scan3A_250 : i32 to index
      %get3A_310 = arith.constant 112 : index
      %get3A_311 = tpu.vector_load %arg4[%get3A_309, %get3A_310] {strides = array<i32>} : memref<32x768xf32, #tpu.memory_space<vmem>>, vector<1x16xf32>,
      %get3A_312 = vector.shape_cast %get3A_311 : vector<1x16xf32> to vector<16xf32>
      %add3A_313 = arith.addf %scan3A_258, %get3A_312 : vector<16xf32>
      %get3A_314 = arith.index_cast %scan3A_250 : i32 to index
      %get3A_315 = arith.constant 128 : index
      %get3A_316 = tpu.vector_load %arg4[%get3A_314, %get3A_315] {strides = array<i32>} : memref<32x768xf32, #tpu.memory_space<vmem>>, vector<1x16xf32>,
      %get3A_317 = vector.shape_cast %get3A_316 : vector<1x16xf32> to vector<16xf32>
      %add3A_318 = arith.addf %scan3A_259, %get3A_317 : vector<16xf32>
      %get3A_319 = arith.index_cast %scan3A_250 : i32 to index
      %get3A_320 = arith.constant 144 : index
      %get3A_321 = tpu.vector_load %arg4[%get3A_319, %get3A_320] {strides = array<i32>} : memref<32x768xf32, #tpu.memory_space<vmem>>, vector<1x16xf32>,
      %get3A_322 = vector.shape_cast %get3A_321 : vector<1x16xf32> to vector<16xf32>
      %add3A_323 = arith.addf %scan3A_260, %get3A_322 : vector<16xf32>
      %get3A_324 = arith.index_cast %scan3A_250 : i32 to index
      %get3A_325 = arith.constant 160 : index
      %get3A_326 = tpu.vector_load %arg4[%get3A_324, %get3A_325] {strides = array<i32>} : memref<32x768xf32, #tpu.memory_space<vmem>>, vector<1x16xf32>,
      %get3A_327 = vector.shape_cast %get3A_326 : vector<1x16xf32> to vector<16xf32>
      %add3A_328 = arith.addf %scan3A_261, %get3A_327 : vector<16xf32>
      %get3A_329 = arith.index_cast %scan3A_250 : i32 to index
      %get3A_330 = arith.constant 176 : index
      %get3A_331 = tpu.vector_load %arg4[%get3A_329, %get3A_330] {strides = array<i32>} : memref<32x768xf32, #tpu.memory_space<vmem>>, vector<1x16xf32>,
      %get3A_332 = vector.shape_cast %get3A_331 : vector<1x16xf32> to vector<16xf32>
      %add3A_333 = arith.addf %scan3A_262, %get3A_332 : vector<16xf32>
      %get3A_334 = arith.index_cast %scan3A_250 : i32 to index
      %get3A_335 = arith.constant 192 : index
      %get3A_336 = tpu.vector_load %arg4[%get3A_334, %get3A_335] {strides = array<i32>} : memref<32x768xf32, #tpu.memory_space<vmem>>, vector<1x16xf32>,
      %get3A_337 = vector.shape_cast %get3A_336 : vector<1x16xf32> to vector<16xf32>
      %add3A_338 = arith.addf %scan3A_263, %get3A_337 : vector<16xf32>
      %get3A_339 = arith.index_cast %scan3A_250 : i32 to index
      %get3A_340 = arith.constant 208 : index
      %get3A_341 = tpu.vector_load %arg4[%get3A_339, %get3A_340] {strides = array<i32>} : memref<32x768xf32, #tpu.memory_space<vmem>>, vector<1x16xf32>,
      %get3A_342 = vector.shape_cast %get3A_341 : vector<1x16xf32> to vector<16xf32>
      %add3A_343 = arith.addf %scan3A_264, %get3A_342 : vector<16xf32>
      %get3A_344 = arith.index_cast %scan3A_250 : i32 to index
      %get3A_345 = arith.constant 224 : index
      %get3A_346 = tpu.vector_load %arg4[%get3A_344, %get3A_345] {strides = array<i32>} : memref<32x768xf32, #tpu.memory_space<vmem>>, vector<1x16xf32>,
      %get3A_347 = vector.shape_cast %get3A_346 : vector<1x16xf32> to vector<16xf32>
      %add3A_348 = arith.addf %scan3A_265, %get3A_347 : vector<16xf32>
      %get3A_349 = arith.index_cast %scan3A_250 : i32 to index
      %get3A_350 = arith.constant 240 : index
      %get3A_351 = tpu.vector_load %arg4[%get3A_349, %get3A_350] {strides = array<i32>} : memref<32x768xf32, #tpu.memory_space<vmem>>, vector<1x16xf32>,
      %get3A_352 = vector.shape_cast %get3A_351 : vector<1x16xf32> to vector<16xf32>
      %add3A_353 = arith.addf %scan3A_266, %get3A_352 : vector<16xf32>
      %get3A_354 = arith.index_cast %scan3A_250 : i32 to index
      %get3A_355 = arith.constant 256 : index
      %get3A_356 = tpu.vector_load %arg4[%get3A_354, %get3A_355] {strides = array<i32>} : memref<32x768xf32, #tpu.memory_space<vmem>>, vector<1x16xf32>,
      %get3A_357 = vector.shape_cast %get3A_356 : vector<1x16xf32> to vector<16xf32>
      %add3A_358 = arith.addf %scan3A_267, %get3A_357 : vector<16xf32>
      %get3A_359 = arith.index_cast %scan3A_250 : i32 to index
      %get3A_360 = arith.constant 272 : index
      %get3A_361 = tpu.vector_load %arg4[%get3A_359, %get3A_360] {strides = array<i32>} : memref<32x768xf32, #tpu.memory_space<vmem>>, vector<1x16xf32>,
      %get3A_362 = vector.shape_cast %get3A_361 : vector<1x16xf32> to vector<16xf32>
      %add3A_363 = arith.addf %scan3A_268, %get3A_362 : vector<16xf32>
      %get3A_364 = arith.index_cast %scan3A_250 : i32 to index
      %get3A_365 = arith.constant 288 : index
      %get3A_366 = tpu.vector_load %arg4[%get3A_364, %get3A_365] {strides = array<i32>} : memref<32x768xf32, #tpu.memory_space<vmem>>, vector<1x16xf32>,
      %get3A_367 = vector.shape_cast %get3A_366 : vector<1x16xf32> to vector<16xf32>
      %add3A_368 = arith.addf %scan3A_269, %get3A_367 : vector<16xf32>
      %get3A_369 = arith.index_cast %scan3A_250 : i32 to index
      %get3A_370 = arith.constant 304 : index
      %get3A_371 = tpu.vector_load %arg4[%get3A_369, %get3A_370] {strides = array<i32>} : memref<32x768xf32, #tpu.memory_space<vmem>>, vector<1x16xf32>,
      %get3A_372 = vector.shape_cast %get3A_371 : vector<1x16xf32> to vector<16xf32>
      %add3A_373 = arith.addf %scan3A_270, %get3A_372 : vector<16xf32>
      %get3A_374 = arith.index_cast %scan3A_250 : i32 to index
      %get3A_375 = arith.constant 320 : index
      %get3A_376 = tpu.vector_load %arg4[%get3A_374, %get3A_375] {strides = array<i32>} : memref<32x768xf32, #tpu.memory_space<vmem>>, vector<1x16xf32>,
      %get3A_377 = vector.shape_cast %get3A_376 : vector<1x16xf32> to vector<16xf32>
      %add3A_378 = arith.addf %scan3A_271, %get3A_377 : vector<16xf32>
      %get3A_379 = arith.index_cast %scan3A_250 : i32 to index
      %get3A_380 = arith.constant 336 : index
      %get3A_381 = tpu.vector_load %arg4[%get3A_379, %get3A_380] {strides = array<i32>} : memref<32x768xf32, #tpu.memory_space<vmem>>, vector<1x16xf32>,
      %get3A_382 = vector.shape_cast %get3A_381 : vector<1x16xf32> to vector<16xf32>
      %add3A_383 = arith.addf %scan3A_272, %get3A_382 : vector<16xf32>
      %get3A_384 = arith.index_cast %scan3A_250 : i32 to index
      %get3A_385 = arith.constant 352 : index
      %get3A_386 = tpu.vector_load %arg4[%get3A_384, %get3A_385] {strides = array<i32>} : memref<32x768xf32, #tpu.memory_space<vmem>>, vector<1x16xf32>,
      %get3A_387 = vector.shape_cast %get3A_386 : vector<1x16xf32> to vector<16xf32>
      %add3A_388 = arith.addf %scan3A_273, %get3A_387 : vector<16xf32>
      %get3A_389 = arith.index_cast %scan3A_250 : i32 to index
      %get3A_390 = arith.constant 368 : index
      %get3A_391 = tpu.vector_load %arg4[%get3A_389, %get3A_390] {strides = array<i32>} : memref<32x768xf32, #tpu.memory_space<vmem>>, vector<1x16xf32>,
      %get3A_392 = vector.shape_cast %get3A_391 : vector<1x16xf32> to vector<16xf32>
      %add3A_393 = arith.addf %scan3A_274, %get3A_392 : vector<16xf32>
      scf.yield %add3A_278, %add3A_283, %add3A_288, %add3A_293, %add3A_298, %add3A_303, %add3A_308, %add3A_313, %add3A_318, %add3A_323, %add3A_328, %add3A_333, %add3A_338, %add3A_343, %add3A_348, %add3A_353, %add3A_358, %add3A_363, %add3A_368, %add3A_373, %add3A_378, %add3A_383, %add3A_388, %add3A_393 : vector<16xf32>, vector<16xf32>, vector<16xf32>, vector<16xf32>, vector<16xf32>, vector<16xf32>, vector<16xf32>, vector<16xf32>, vector<16xf32>, vector<16xf32>, vector<16xf32>, vector<16xf32>, vector<16xf32>, vector<16xf32>, vector<16xf32>, vector<16xf32>, vector<16xf32>, vector<16xf32>, vector<16xf32>, vector<16xf32>, vector<16xf32>, vector<16xf32>, vector<16xf32>, vector<16xf32>
    }
    %scan3A_52 = arith.constant 32 : i32
    %scan3A_53 = arith.constant 0 : i32
    %scan3A_54 = arith.constant 32 : i32
    %scan3A_55 = arith.addi %scan3A_53, %scan3A_54 : i32
    %scan3A_56 = arith.constant 1 : i32
    %scan3A_57:24 = scf.for %scan3A_250 = %scan3A_53 to %scan3A_55 step %scan3A_56 iter_args(%scan3A_251 = %broadcast_in_dim3A_35, %scan3A_252 = %broadcast_in_dim3A_35, %scan3A_253 = %broadcast_in_dim3A_35, %scan3A_254 = %broadcast_in_dim3A_35, %scan3A_255 = %broadcast_in_dim3A_35, %scan3A_256 = %broadcast_in_dim3A_35, %scan3A_257 = %broadcast_in_dim3A_35, %scan3A_258 = %broadcast_in_dim3A_35, %scan3A_259 = %broadcast_in_dim3A_35, %scan3A_260 = %broadcast_in_dim3A_35, %scan3A_261 = %broadcast_in_dim3A_35, %scan3A_262 = %broadcast_in_dim3A_35, %scan3A_263 = %broadcast_in_dim3A_35, %scan3A_264 = %broadcast_in_dim3A_35, %scan3A_265 = %broadcast_in_dim3A_35, %scan3A_266 = %broadcast_in_dim3A_35, %scan3A_267 = %broadcast_in_dim3A_35, %scan3A_268 = %broadcast_in_dim3A_35, %scan3A_269 = %broadcast_in_dim3A_35, %scan3A_270 = %broadcast_in_dim3A_35, %scan3A_271 = %broadcast_in_dim3A_35, %scan3A_272 = %broadcast_in_dim3A_35, %scan3A_273 = %broadcast_in_dim3A_35, %scan3A_274 = %broadcast_in_dim3A_35) -> (vector<16xf32>, vector<16xf32>, vector<16xf32>, vector<16xf32>, vector<16xf32>, vector<16xf32>, vector<16xf32>, vector<16xf32>, vector<16xf32>, vector<16xf32>, vector<16xf32>, vector<16xf32>, vector<16xf32>, vector<16xf32>, vector<16xf32>, vector<16xf32>, vector<16xf32>, vector<16xf32>, vector<16xf32>, vector<16xf32>, vector<16xf32>, vector<16xf32>, vector<16xf32>, vector<16xf32>)  : i32 {
      %get3A = arith.index_cast %scan3A_250 : i32 to index
      %get3A_275 = arith.constant 384 : index
      %get3A_276 = tpu.vector_load %arg4[%get3A, %get3A_275] {strides = array<i32>} : memref<32x768xf32, #tpu.memory_space<vmem>>, vector<1x16xf32>,
      %get3A_277 = vector.shape_cast %get3A_276 : vector<1x16xf32> to vector<16xf32>
      %add3A_278 = arith.addf %scan3A_251, %get3A_277 : vector<16xf32>
      %get3A_279 = arith.index_cast %scan3A_250 : i32 to index
      %get3A_280 = arith.constant 400 : index
      %get3A_281 = tpu.vector_load %arg4[%get3A_279, %get3A_280] {strides = array<i32>} : memref<32x768xf32, #tpu.memory_space<vmem>>, vector<1x16xf32>,
      %get3A_282 = vector.shape_cast %get3A_281 : vector<1x16xf32> to vector<16xf32>
      %add3A_283 = arith.addf %scan3A_252, %get3A_282 : vector<16xf32>
      %get3A_284 = arith.index_cast %scan3A_250 : i32 to index
      %get3A_285 = arith.constant 416 : index
      %get3A_286 = tpu.vector_load %arg4[%get3A_284, %get3A_285] {strides = array<i32>} : memref<32x768xf32, #tpu.memory_space<vmem>>, vector<1x16xf32>,
      %get3A_287 = vector.shape_cast %get3A_286 : vector<1x16xf32> to vector<16xf32>
      %add3A_288 = arith.addf %scan3A_253, %get3A_287 : vector<16xf32>
      %get3A_289 = arith.index_cast %scan3A_250 : i32 to index
      %get3A_290 = arith.constant 432 : index
      %get3A_291 = tpu.vector_load %arg4[%get3A_289, %get3A_290] {strides = array<i32>} : memref<32x768xf32, #tpu.memory_space<vmem>>, vector<1x16xf32>,
      %get3A_292 = vector.shape_cast %get3A_291 : vector<1x16xf32> to vector<16xf32>
      %add3A_293 = arith.addf %scan3A_254, %get3A_292 : vector<16xf32>
      %get3A_294 = arith.index_cast %scan3A_250 : i32 to index
      %get3A_295 = arith.constant 448 : index
      %get3A_296 = tpu.vector_load %arg4[%get3A_294, %get3A_295] {strides = array<i32>} : memref<32x768xf32, #tpu.memory_space<vmem>>, vector<1x16xf32>,
      %get3A_297 = vector.shape_cast %get3A_296 : vector<1x16xf32> to vector<16xf32>
      %add3A_298 = arith.addf %scan3A_255, %get3A_297 : vector<16xf32>
      %get3A_299 = arith.index_cast %scan3A_250 : i32 to index
      %get3A_300 = arith.constant 464 : index
      %get3A_301 = tpu.vector_load %arg4[%get3A_299, %get3A_300] {strides = array<i32>} : memref<32x768xf32, #tpu.memory_space<vmem>>, vector<1x16xf32>,
      %get3A_302 = vector.shape_cast %get3A_301 : vector<1x16xf32> to vector<16xf32>
      %add3A_303 = arith.addf %scan3A_256, %get3A_302 : vector<16xf32>
      %get3A_304 = arith.index_cast %scan3A_250 : i32 to index
      %get3A_305 = arith.constant 480 : index
      %get3A_306 = tpu.vector_load %arg4[%get3A_304, %get3A_305] {strides = array<i32>} : memref<32x768xf32, #tpu.memory_space<vmem>>, vector<1x16xf32>,
      %get3A_307 = vector.shape_cast %get3A_306 : vector<1x16xf32> to vector<16xf32>
      %add3A_308 = arith.addf %scan3A_257, %get3A_307 : vector<16xf32>
      %get3A_309 = arith.index_cast %scan3A_250 : i32 to index
      %get3A_310 = arith.constant 496 : index
      %get3A_311 = tpu.vector_load %arg4[%get3A_309, %get3A_310] {strides = array<i32>} : memref<32x768xf32, #tpu.memory_space<vmem>>, vector<1x16xf32>,
      %get3A_312 = vector.shape_cast %get3A_311 : vector<1x16xf32> to vector<16xf32>
      %add3A_313 = arith.addf %scan3A_258, %get3A_312 : vector<16xf32>
      %get3A_314 = arith.index_cast %scan3A_250 : i32 to index
      %get3A_315 = arith.constant 512 : index
      %get3A_316 = tpu.vector_load %arg4[%get3A_314, %get3A_315] {strides = array<i32>} : memref<32x768xf32, #tpu.memory_space<vmem>>, vector<1x16xf32>,
      %get3A_317 = vector.shape_cast %get3A_316 : vector<1x16xf32> to vector<16xf32>
      %add3A_318 = arith.addf %scan3A_259, %get3A_317 : vector<16xf32>
      %get3A_319 = arith.index_cast %scan3A_250 : i32 to index
      %get3A_320 = arith.constant 528 : index
      %get3A_321 = tpu.vector_load %arg4[%get3A_319, %get3A_320] {strides = array<i32>} : memref<32x768xf32, #tpu.memory_space<vmem>>, vector<1x16xf32>,
      %get3A_322 = vector.shape_cast %get3A_321 : vector<1x16xf32> to vector<16xf32>
      %add3A_323 = arith.addf %scan3A_260, %get3A_322 : vector<16xf32>
      %get3A_324 = arith.index_cast %scan3A_250 : i32 to index
      %get3A_325 = arith.constant 544 : index
      %get3A_326 = tpu.vector_load %arg4[%get3A_324, %get3A_325] {strides = array<i32>} : memref<32x768xf32, #tpu.memory_space<vmem>>, vector<1x16xf32>,
      %get3A_327 = vector.shape_cast %get3A_326 : vector<1x16xf32> to vector<16xf32>
      %add3A_328 = arith.addf %scan3A_261, %get3A_327 : vector<16xf32>
      %get3A_329 = arith.index_cast %scan3A_250 : i32 to index
      %get3A_330 = arith.constant 560 : index
      %get3A_331 = tpu.vector_load %arg4[%get3A_329, %get3A_330] {strides = array<i32>} : memref<32x768xf32, #tpu.memory_space<vmem>>, vector<1x16xf32>,
      %get3A_332 = vector.shape_cast %get3A_331 : vector<1x16xf32> to vector<16xf32>
      %add3A_333 = arith.addf %scan3A_262, %get3A_332 : vector<16xf32>
      %get3A_334 = arith.index_cast %scan3A_250 : i32 to index
      %get3A_335 = arith.constant 576 : index
      %get3A_336 = tpu.vector_load %arg4[%get3A_334, %get3A_335] {strides = array<i32>} : memref<32x768xf32, #tpu.memory_space<vmem>>, vector<1x16xf32>,
      %get3A_337 = vector.shape_cast %get3A_336 : vector<1x16xf32> to vector<16xf32>
      %add3A_338 = arith.addf %scan3A_263, %get3A_337 : vector<16xf32>
      %get3A_339 = arith.index_cast %scan3A_250 : i32 to index
      %get3A_340 = arith.constant 592 : index
      %get3A_341 = tpu.vector_load %arg4[%get3A_339, %get3A_340] {strides = array<i32>} : memref<32x768xf32, #tpu.memory_space<vmem>>, vector<1x16xf32>,
      %get3A_342 = vector.shape_cast %get3A_341 : vector<1x16xf32> to vector<16xf32>
      %add3A_343 = arith.addf %scan3A_264, %get3A_342 : vector<16xf32>
      %get3A_344 = arith.index_cast %scan3A_250 : i32 to index
      %get3A_345 = arith.constant 608 : index
      %get3A_346 = tpu.vector_load %arg4[%get3A_344, %get3A_345] {strides = array<i32>} : memref<32x768xf32, #tpu.memory_space<vmem>>, vector<1x16xf32>,
      %get3A_347 = vector.shape_cast %get3A_346 : vector<1x16xf32> to vector<16xf32>
      %add3A_348 = arith.addf %scan3A_265, %get3A_347 : vector<16xf32>
      %get3A_349 = arith.index_cast %scan3A_250 : i32 to index
      %get3A_350 = arith.constant 624 : index
      %get3A_351 = tpu.vector_load %arg4[%get3A_349, %get3A_350] {strides = array<i32>} : memref<32x768xf32, #tpu.memory_space<vmem>>, vector<1x16xf32>,
      %get3A_352 = vector.shape_cast %get3A_351 : vector<1x16xf32> to vector<16xf32>
      %add3A_353 = arith.addf %scan3A_266, %get3A_352 : vector<16xf32>
      %get3A_354 = arith.index_cast %scan3A_250 : i32 to index
      %get3A_355 = arith.constant 640 : index
      %get3A_356 = tpu.vector_load %arg4[%get3A_354, %get3A_355] {strides = array<i32>} : memref<32x768xf32, #tpu.memory_space<vmem>>, vector<1x16xf32>,
      %get3A_357 = vector.shape_cast %get3A_356 : vector<1x16xf32> to vector<16xf32>
      %add3A_358 = arith.addf %scan3A_267, %get3A_357 : vector<16xf32>
      %get3A_359 = arith.index_cast %scan3A_250 : i32 to index
      %get3A_360 = arith.constant 656 : index
      %get3A_361 = tpu.vector_load %arg4[%get3A_359, %get3A_360] {strides = array<i32>} : memref<32x768xf32, #tpu.memory_space<vmem>>, vector<1x16xf32>,
      %get3A_362 = vector.shape_cast %get3A_361 : vector<1x16xf32> to vector<16xf32>
      %add3A_363 = arith.addf %scan3A_268, %get3A_362 : vector<16xf32>
      %get3A_364 = arith.index_cast %scan3A_250 : i32 to index
      %get3A_365 = arith.constant 672 : index
      %get3A_366 = tpu.vector_load %arg4[%get3A_364, %get3A_365] {strides = array<i32>} : memref<32x768xf32, #tpu.memory_space<vmem>>, vector<1x16xf32>,
      %get3A_367 = vector.shape_cast %get3A_366 : vector<1x16xf32> to vector<16xf32>
      %add3A_368 = arith.addf %scan3A_269, %get3A_367 : vector<16xf32>
      %get3A_369 = arith.index_cast %scan3A_250 : i32 to index
      %get3A_370 = arith.constant 688 : index
      %get3A_371 = tpu.vector_load %arg4[%get3A_369, %get3A_370] {strides = array<i32>} : memref<32x768xf32, #tpu.memory_space<vmem>>, vector<1x16xf32>,
      %get3A_372 = vector.shape_cast %get3A_371 : vector<1x16xf32> to vector<16xf32>
      %add3A_373 = arith.addf %scan3A_270, %get3A_372 : vector<16xf32>
      %get3A_374 = arith.index_cast %scan3A_250 : i32 to index
      %get3A_375 = arith.constant 704 : index
      %get3A_376 = tpu.vector_load %arg4[%get3A_374, %get3A_375] {strides = array<i32>} : memref<32x768xf32, #tpu.memory_space<vmem>>, vector<1x16xf32>,
      %get3A_377 = vector.shape_cast %get3A_376 : vector<1x16xf32> to vector<16xf32>
      %add3A_378 = arith.addf %scan3A_271, %get3A_377 : vector<16xf32>
      %get3A_379 = arith.index_cast %scan3A_250 : i32 to index
      %get3A_380 = arith.constant 720 : index
      %get3A_381 = tpu.vector_load %arg4[%get3A_379, %get3A_380] {strides = array<i32>} : memref<32x768xf32, #tpu.memory_space<vmem>>, vector<1x16xf32>,
      %get3A_382 = vector.shape_cast %get3A_381 : vector<1x16xf32> to vector<16xf32>
      %add3A_383 = arith.addf %scan3A_272, %get3A_382 : vector<16xf32>
      %get3A_384 = arith.index_cast %scan3A_250 : i32 to index
      %get3A_385 = arith.constant 736 : index
      %get3A_386 = tpu.vector_load %arg4[%get3A_384, %get3A_385] {strides = array<i32>} : memref<32x768xf32, #tpu.memory_space<vmem>>, vector<1x16xf32>,
      %get3A_387 = vector.shape_cast %get3A_386 : vector<1x16xf32> to vector<16xf32>
      %add3A_388 = arith.addf %scan3A_273, %get3A_387 : vector<16xf32>
      %get3A_389 = arith.index_cast %scan3A_250 : i32 to index
      %get3A_390 = arith.constant 752 : index
      %get3A_391 = tpu.vector_load %arg4[%get3A_389, %get3A_390] {strides = array<i32>} : memref<32x768xf32, #tpu.memory_space<vmem>>, vector<1x16xf32>,
      %get3A_392 = vector.shape_cast %get3A_391 : vector<1x16xf32> to vector<16xf32>
      %add3A_393 = arith.addf %scan3A_274, %get3A_392 : vector<16xf32>
      scf.yield %add3A_278, %add3A_283, %add3A_288, %add3A_293, %add3A_298, %add3A_303, %add3A_308, %add3A_313, %add3A_318, %add3A_323, %add3A_328, %add3A_333, %add3A_338, %add3A_343, %add3A_348, %add3A_353, %add3A_358, %add3A_363, %add3A_368, %add3A_373, %add3A_378, %add3A_383, %add3A_388, %add3A_393 : vector<16xf32>, vector<16xf32>, vector<16xf32>, vector<16xf32>, vector<16xf32>, vector<16xf32>, vector<16xf32>, vector<16xf32>, vector<16xf32>, vector<16xf32>, vector<16xf32>, vector<16xf32>, vector<16xf32>, vector<16xf32>, vector<16xf32>, vector<16xf32>, vector<16xf32>, vector<16xf32>, vector<16xf32>, vector<16xf32>, vector<16xf32>, vector<16xf32>, vector<16xf32>, vector<16xf32>
    }
    %scan3A_58 = arith.constant 32 : i32
    %swap3A = arith.constant 0 : index
    %swap3A_59 = tpu.vector_load %arg6[%swap3A] {strides = array<i32>} : memref<768xf32, #tpu.memory_space<vmem>>, vector<16xf32>,
    %swap3A_60 = vector.shape_cast %swap3A_59 : vector<16xf32> to vector<16xf32>
    %swap3A_61 = vector.shape_cast %scan3A_51#0 : vector<16xf32> to vector<16xf32>
    tpu.vector_store %arg6[%swap3A], %swap3A_61 {strides = array<i32>} : memref<768xf32, #tpu.memory_space<vmem>>, vector<16xf32>,
    %swap3A_62 = arith.constant 384 : index
    %swap3A_63 = tpu.vector_load %arg6[%swap3A_62] {strides = array<i32>} : memref<768xf32, #tpu.memory_space<vmem>>, vector<16xf32>,
    %swap3A_64 = vector.shape_cast %swap3A_63 : vector<16xf32> to vector<16xf32>
    %swap3A_65 = vector.shape_cast %scan3A_57#0 : vector<16xf32> to vector<16xf32>
    tpu.vector_store %arg6[%swap3A_62], %swap3A_65 {strides = array<i32>} : memref<768xf32, #tpu.memory_space<vmem>>, vector<16xf32>,
    %swap3A_66 = arith.constant 16 : index
    %swap3A_67 = tpu.vector_load %arg6[%swap3A_66] {strides = array<i32>} : memref<768xf32, #tpu.memory_space<vmem>>, vector<16xf32>,
    %swap3A_68 = vector.shape_cast %swap3A_67 : vector<16xf32> to vector<16xf32>
    %swap3A_69 = vector.shape_cast %scan3A_51#1 : vector<16xf32> to vector<16xf32>
    tpu.vector_store %arg6[%swap3A_66], %swap3A_69 {strides = array<i32>} : memref<768xf32, #tpu.memory_space<vmem>>, vector<16xf32>,
    %swap3A_70 = arith.constant 400 : index
    %swap3A_71 = tpu.vector_load %arg6[%swap3A_70] {strides = array<i32>} : memref<768xf32, #tpu.memory_space<vmem>>, vector<16xf32>,
    %swap3A_72 = vector.shape_cast %swap3A_71 : vector<16xf32> to vector<16xf32>
    %swap3A_73 = vector.shape_cast %scan3A_57#1 : vector<16xf32> to vector<16xf32>
    tpu.vector_store %arg6[%swap3A_70], %swap3A_73 {strides = array<i32>} : memref<768xf32, #tpu.memory_space<vmem>>, vector<16xf32>,
    %swap3A_74 = arith.constant 32 : index
    %swap3A_75 = tpu.vector_load %arg6[%swap3A_74] {strides = array<i32>} : memref<768xf32, #tpu.memory_space<vmem>>, vector<16xf32>,
    %swap3A_76 = vector.shape_cast %swap3A_75 : vector<16xf32> to vector<16xf32>
    %swap3A_77 = vector.shape_cast %scan3A_51#2 : vector<16xf32> to vector<16xf32>
    tpu.vector_store %arg6[%swap3A_74], %swap3A_77 {strides = array<i32>} : memref<768xf32, #tpu.memory_space<vmem>>, vector<16xf32>,
    %swap3A_78 = arith.constant 416 : index
    %swap3A_79 = tpu.vector_load %arg6[%swap3A_78] {strides = array<i32>} : memref<768xf32, #tpu.memory_space<vmem>>, vector<16xf32>,
    %swap3A_80 = vector.shape_cast %swap3A_79 : vector<16xf32> to vector<16xf32>
    %swap3A_81 = vector.shape_cast %scan3A_57#2 : vector<16xf32> to vector<16xf32>
    tpu.vector_store %arg6[%swap3A_78], %swap3A_81 {strides = array<i32>} : memref<768xf32, #tpu.memory_space<vmem>>, vector<16xf32>,
    %swap3A_82 = arith.constant 48 : index
    %swap3A_83 = tpu.vector_load %arg6[%swap3A_82] {strides = array<i32>} : memref<768xf32, #tpu.memory_space<vmem>>, vector<16xf32>,
    %swap3A_84 = vector.shape_cast %swap3A_83 : vector<16xf32> to vector<16xf32>
    %swap3A_85 = vector.shape_cast %scan3A_51#3 : vector<16xf32> to vector<16xf32>
    tpu.vector_store %arg6[%swap3A_82], %swap3A_85 {strides = array<i32>} : memref<768xf32, #tpu.memory_space<vmem>>, vector<16xf32>,
    %swap3A_86 = arith.constant 432 : index
    %swap3A_87 = tpu.vector_load %arg6[%swap3A_86] {strides = array<i32>} : memref<768xf32, #tpu.memory_space<vmem>>, vector<16xf32>,
    %swap3A_88 = vector.shape_cast %swap3A_87 : vector<16xf32> to vector<16xf32>
    %swap3A_89 = vector.shape_cast %scan3A_57#3 : vector<16xf32> to vector<16xf32>
    tpu.vector_store %arg6[%swap3A_86], %swap3A_89 {strides = array<i32>} : memref<768xf32, #tpu.memory_space<vmem>>, vector<16xf32>,
    %swap3A_90 = arith.constant 64 : index
    %swap3A_91 = tpu.vector_load %arg6[%swap3A_90] {strides = array<i32>} : memref<768xf32, #tpu.memory_space<vmem>>, vector<16xf32>,
    %swap3A_92 = vector.shape_cast %swap3A_91 : vector<16xf32> to vector<16xf32>
    %swap3A_93 = vector.shape_cast %scan3A_51#4 : vector<16xf32> to vector<16xf32>
    tpu.vector_store %arg6[%swap3A_90], %swap3A_93 {strides = array<i32>} : memref<768xf32, #tpu.memory_space<vmem>>, vector<16xf32>,
    %swap3A_94 = arith.constant 448 : index
    %swap3A_95 = tpu.vector_load %arg6[%swap3A_94] {strides = array<i32>} : memref<768xf32, #tpu.memory_space<vmem>>, vector<16xf32>,
    %swap3A_96 = vector.shape_cast %swap3A_95 : vector<16xf32> to vector<16xf32>
    %swap3A_97 = vector.shape_cast %scan3A_57#4 : vector<16xf32> to vector<16xf32>
    tpu.vector_store %arg6[%swap3A_94], %swap3A_97 {strides = array<i32>} : memref<768xf32, #tpu.memory_space<vmem>>, vector<16xf32>,
    %swap3A_98 = arith.constant 80 : index
    %swap3A_99 = tpu.vector_load %arg6[%swap3A_98] {strides = array<i32>} : memref<768xf32, #tpu.memory_space<vmem>>, vector<16xf32>,
    %swap3A_100 = vector.shape_cast %swap3A_99 : vector<16xf32> to vector<16xf32>
    %swap3A_101 = vector.shape_cast %scan3A_51#5 : vector<16xf32> to vector<16xf32>
    tpu.vector_store %arg6[%swap3A_98], %swap3A_101 {strides = array<i32>} : memref<768xf32, #tpu.memory_space<vmem>>, vector<16xf32>,
    %swap3A_102 = arith.constant 464 : index
    %swap3A_103 = tpu.vector_load %arg6[%swap3A_102] {strides = array<i32>} : memref<768xf32, #tpu.memory_space<vmem>>, vector<16xf32>,
    %swap3A_104 = vector.shape_cast %swap3A_103 : vector<16xf32> to vector<16xf32>
    %swap3A_105 = vector.shape_cast %scan3A_57#5 : vector<16xf32> to vector<16xf32>
    tpu.vector_store %arg6[%swap3A_102], %swap3A_105 {strides = array<i32>} : memref<768xf32, #tpu.memory_space<vmem>>, vector<16xf32>,
    %swap3A_106 = arith.constant 96 : index
    %swap3A_107 = tpu.vector_load %arg6[%swap3A_106] {strides = array<i32>} : memref<768xf32, #tpu.memory_space<vmem>>, vector<16xf32>,
    %swap3A_108 = vector.shape_cast %swap3A_107 : vector<16xf32> to vector<16xf32>
    %swap3A_109 = vector.shape_cast %scan3A_51#6 : vector<16xf32> to vector<16xf32>
    tpu.vector_store %arg6[%swap3A_106], %swap3A_109 {strides = array<i32>} : memref<768xf32, #tpu.memory_space<vmem>>, vector<16xf32>,
    %swap3A_110 = arith.constant 480 : index
    %swap3A_111 = tpu.vector_load %arg6[%swap3A_110] {strides = array<i32>} : memref<768xf32, #tpu.memory_space<vmem>>, vector<16xf32>,
    %swap3A_112 = vector.shape_cast %swap3A_111 : vector<16xf32> to vector<16xf32>
    %swap3A_113 = vector.shape_cast %scan3A_57#6 : vector<16xf32> to vector<16xf32>
    tpu.vector_store %arg6[%swap3A_110], %swap3A_113 {strides = array<i32>} : memref<768xf32, #tpu.memory_space<vmem>>, vector<16xf32>,
    %swap3A_114 = arith.constant 112 : index
    %swap3A_115 = tpu.vector_load %arg6[%swap3A_114] {strides = array<i32>} : memref<768xf32, #tpu.memory_space<vmem>>, vector<16xf32>,
    %swap3A_116 = vector.shape_cast %swap3A_115 : vector<16xf32> to vector<16xf32>
    %swap3A_117 = vector.shape_cast %scan3A_51#7 : vector<16xf32> to vector<16xf32>
    tpu.vector_store %arg6[%swap3A_114], %swap3A_117 {strides = array<i32>} : memref<768xf32, #tpu.memory_space<vmem>>, vector<16xf32>,
    %swap3A_118 = arith.constant 496 : index
    %swap3A_119 = tpu.vector_load %arg6[%swap3A_118] {strides = array<i32>} : memref<768xf32, #tpu.memory_space<vmem>>, vector<16xf32>,
    %swap3A_120 = vector.shape_cast %swap3A_119 : vector<16xf32> to vector<16xf32>
    %swap3A_121 = vector.shape_cast %scan3A_57#7 : vector<16xf32> to vector<16xf32>
    tpu.vector_store %arg6[%swap3A_118], %swap3A_121 {strides = array<i32>} : memref<768xf32, #tpu.memory_space<vmem>>, vector<16xf32>,
    %swap3A_122 = arith.constant 128 : index
    %swap3A_123 = tpu.vector_load %arg6[%swap3A_122] {strides = array<i32>} : memref<768xf32, #tpu.memory_space<vmem>>, vector<16xf32>,
    %swap3A_124 = vector.shape_cast %swap3A_123 : vector<16xf32> to vector<16xf32>
    %swap3A_125 = vector.shape_cast %scan3A_51#8 : vector<16xf32> to vector<16xf32>
    tpu.vector_store %arg6[%swap3A_122], %swap3A_125 {strides = array<i32>} : memref<768xf32, #tpu.memory_space<vmem>>, vector<16xf32>,
    %swap3A_126 = arith.constant 512 : index
    %swap3A_127 = tpu.vector_load %arg6[%swap3A_126] {strides = array<i32>} : memref<768xf32, #tpu.memory_space<vmem>>, vector<16xf32>,
    %swap3A_128 = vector.shape_cast %swap3A_127 : vector<16xf32> to vector<16xf32>
    %swap3A_129 = vector.shape_cast %scan3A_57#8 : vector<16xf32> to vector<16xf32>
    tpu.vector_store %arg6[%swap3A_126], %swap3A_129 {strides = array<i32>} : memref<768xf32, #tpu.memory_space<vmem>>, vector<16xf32>,
    %swap3A_130 = arith.constant 144 : index
    %swap3A_131 = tpu.vector_load %arg6[%swap3A_130] {strides = array<i32>} : memref<768xf32, #tpu.memory_space<vmem>>, vector<16xf32>,
    %swap3A_132 = vector.shape_cast %swap3A_131 : vector<16xf32> to vector<16xf32>
    %swap3A_133 = vector.shape_cast %scan3A_51#9 : vector<16xf32> to vector<16xf32>
    tpu.vector_store %arg6[%swap3A_130], %swap3A_133 {strides = array<i32>} : memref<768xf32, #tpu.memory_space<vmem>>, vector<16xf32>,
    %swap3A_134 = arith.constant 528 : index
    %swap3A_135 = tpu.vector_load %arg6[%swap3A_134] {strides = array<i32>} : memref<768xf32, #tpu.memory_space<vmem>>, vector<16xf32>,
    %swap3A_136 = vector.shape_cast %swap3A_135 : vector<16xf32> to vector<16xf32>
    %swap3A_137 = vector.shape_cast %scan3A_57#9 : vector<16xf32> to vector<16xf32>
    tpu.vector_store %arg6[%swap3A_134], %swap3A_137 {strides = array<i32>} : memref<768xf32, #tpu.memory_space<vmem>>, vector<16xf32>,
    %swap3A_138 = arith.constant 160 : index
    %swap3A_139 = tpu.vector_load %arg6[%swap3A_138] {strides = array<i32>} : memref<768xf32, #tpu.memory_space<vmem>>, vector<16xf32>,
    %swap3A_140 = vector.shape_cast %swap3A_139 : vector<16xf32> to vector<16xf32>
    %swap3A_141 = vector.shape_cast %scan3A_51#10 : vector<16xf32> to vector<16xf32>
    tpu.vector_store %arg6[%swap3A_138], %swap3A_141 {strides = array<i32>} : memref<768xf32, #tpu.memory_space<vmem>>, vector<16xf32>,
    %swap3A_142 = arith.constant 544 : index
    %swap3A_143 = tpu.vector_load %arg6[%swap3A_142] {strides = array<i32>} : memref<768xf32, #tpu.memory_space<vmem>>, vector<16xf32>,
    %swap3A_144 = vector.shape_cast %swap3A_143 : vector<16xf32> to vector<16xf32>
    %swap3A_145 = vector.shape_cast %scan3A_57#10 : vector<16xf32> to vector<16xf32>
    tpu.vector_store %arg6[%swap3A_142], %swap3A_145 {strides = array<i32>} : memref<768xf32, #tpu.memory_space<vmem>>, vector<16xf32>,
    %swap3A_146 = arith.constant 176 : index
    %swap3A_147 = tpu.vector_load %arg6[%swap3A_146] {strides = array<i32>} : memref<768xf32, #tpu.memory_space<vmem>>, vector<16xf32>,
    %swap3A_148 = vector.shape_cast %swap3A_147 : vector<16xf32> to vector<16xf32>
    %swap3A_149 = vector.shape_cast %scan3A_51#11 : vector<16xf32> to vector<16xf32>
    tpu.vector_store %arg6[%swap3A_146], %swap3A_149 {strides = array<i32>} : memref<768xf32, #tpu.memory_space<vmem>>, vector<16xf32>,
    %swap3A_150 = arith.constant 560 : index
    %swap3A_151 = tpu.vector_load %arg6[%swap3A_150] {strides = array<i32>} : memref<768xf32, #tpu.memory_space<vmem>>, vector<16xf32>,
    %swap3A_152 = vector.shape_cast %swap3A_151 : vector<16xf32> to vector<16xf32>
    %swap3A_153 = vector.shape_cast %scan3A_57#11 : vector<16xf32> to vector<16xf32>
    tpu.vector_store %arg6[%swap3A_150], %swap3A_153 {strides = array<i32>} : memref<768xf32, #tpu.memory_space<vmem>>, vector<16xf32>,
    %swap3A_154 = arith.constant 192 : index
    %swap3A_155 = tpu.vector_load %arg6[%swap3A_154] {strides = array<i32>} : memref<768xf32, #tpu.memory_space<vmem>>, vector<16xf32>,
    %swap3A_156 = vector.shape_cast %swap3A_155 : vector<16xf32> to vector<16xf32>
    %swap3A_157 = vector.shape_cast %scan3A_51#12 : vector<16xf32> to vector<16xf32>
    tpu.vector_store %arg6[%swap3A_154], %swap3A_157 {strides = array<i32>} : memref<768xf32, #tpu.memory_space<vmem>>, vector<16xf32>,
    %swap3A_158 = arith.constant 576 : index
    %swap3A_159 = tpu.vector_load %arg6[%swap3A_158] {strides = array<i32>} : memref<768xf32, #tpu.memory_space<vmem>>, vector<16xf32>,
    %swap3A_160 = vector.shape_cast %swap3A_159 : vector<16xf32> to vector<16xf32>
    %swap3A_161 = vector.shape_cast %scan3A_57#12 : vector<16xf32> to vector<16xf32>
    tpu.vector_store %arg6[%swap3A_158], %swap3A_161 {strides = array<i32>} : memref<768xf32, #tpu.memory_space<vmem>>, vector<16xf32>,
    %swap3A_162 = arith.constant 208 : index
    %swap3A_163 = tpu.vector_load %arg6[%swap3A_162] {strides = array<i32>} : memref<768xf32, #tpu.memory_space<vmem>>, vector<16xf32>,
    %swap3A_164 = vector.shape_cast %swap3A_163 : vector<16xf32> to vector<16xf32>
    %swap3A_165 = vector.shape_cast %scan3A_51#13 : vector<16xf32> to vector<16xf32>
    tpu.vector_store %arg6[%swap3A_162], %swap3A_165 {strides = array<i32>} : memref<768xf32, #tpu.memory_space<vmem>>, vector<16xf32>,
    %swap3A_166 = arith.constant 592 : index
    %swap3A_167 = tpu.vector_load %arg6[%swap3A_166] {strides = array<i32>} : memref<768xf32, #tpu.memory_space<vmem>>, vector<16xf32>,
    %swap3A_168 = vector.shape_cast %swap3A_167 : vector<16xf32> to vector<16xf32>
    %swap3A_169 = vector.shape_cast %scan3A_57#13 : vector<16xf32> to vector<16xf32>
    tpu.vector_store %arg6[%swap3A_166], %swap3A_169 {strides = array<i32>} : memref<768xf32, #tpu.memory_space<vmem>>, vector<16xf32>,
    %swap3A_170 = arith.constant 224 : index
    %swap3A_171 = tpu.vector_load %arg6[%swap3A_170] {strides = array<i32>} : memref<768xf32, #tpu.memory_space<vmem>>, vector<16xf32>,
    %swap3A_172 = vector.shape_cast %swap3A_171 : vector<16xf32> to vector<16xf32>
    %swap3A_173 = vector.shape_cast %scan3A_51#14 : vector<16xf32> to vector<16xf32>
    tpu.vector_store %arg6[%swap3A_170], %swap3A_173 {strides = array<i32>} : memref<768xf32, #tpu.memory_space<vmem>>, vector<16xf32>,
    %swap3A_174 = arith.constant 608 : index
    %swap3A_175 = tpu.vector_load %arg6[%swap3A_174] {strides = array<i32>} : memref<768xf32, #tpu.memory_space<vmem>>, vector<16xf32>,
    %swap3A_176 = vector.shape_cast %swap3A_175 : vector<16xf32> to vector<16xf32>
    %swap3A_177 = vector.shape_cast %scan3A_57#14 : vector<16xf32> to vector<16xf32>
    tpu.vector_store %arg6[%swap3A_174], %swap3A_177 {strides = array<i32>} : memref<768xf32, #tpu.memory_space<vmem>>, vector<16xf32>,
    %swap3A_178 = arith.constant 240 : index
    %swap3A_179 = tpu.vector_load %arg6[%swap3A_178] {strides = array<i32>} : memref<768xf32, #tpu.memory_space<vmem>>, vector<16xf32>,
    %swap3A_180 = vector.shape_cast %swap3A_179 : vector<16xf32> to vector<16xf32>
    %swap3A_181 = vector.shape_cast %scan3A_51#15 : vector<16xf32> to vector<16xf32>
    tpu.vector_store %arg6[%swap3A_178], %swap3A_181 {strides = array<i32>} : memref<768xf32, #tpu.memory_space<vmem>>, vector<16xf32>,
    %swap3A_182 = arith.constant 624 : index
    %swap3A_183 = tpu.vector_load %arg6[%swap3A_182] {strides = array<i32>} : memref<768xf32, #tpu.memory_space<vmem>>, vector<16xf32>,
    %swap3A_184 = vector.shape_cast %swap3A_183 : vector<16xf32> to vector<16xf32>
    %swap3A_185 = vector.shape_cast %scan3A_57#15 : vector<16xf32> to vector<16xf32>
    tpu.vector_store %arg6[%swap3A_182], %swap3A_185 {strides = array<i32>} : memref<768xf32, #tpu.memory_space<vmem>>, vector<16xf32>,
    %swap3A_186 = arith.constant 256 : index
    %swap3A_187 = tpu.vector_load %arg6[%swap3A_186] {strides = array<i32>} : memref<768xf32, #tpu.memory_space<vmem>>, vector<16xf32>,
    %swap3A_188 = vector.shape_cast %swap3A_187 : vector<16xf32> to vector<16xf32>
    %swap3A_189 = vector.shape_cast %scan3A_51#16 : vector<16xf32> to vector<16xf32>
    tpu.vector_store %arg6[%swap3A_186], %swap3A_189 {strides = array<i32>} : memref<768xf32, #tpu.memory_space<vmem>>, vector<16xf32>,
    %swap3A_190 = arith.constant 640 : index
    %swap3A_191 = tpu.vector_load %arg6[%swap3A_190] {strides = array<i32>} : memref<768xf32, #tpu.memory_space<vmem>>, vector<16xf32>,
    %swap3A_192 = vector.shape_cast %swap3A_191 : vector<16xf32> to vector<16xf32>
    %swap3A_193 = vector.shape_cast %scan3A_57#16 : vector<16xf32> to vector<16xf32>
    tpu.vector_store %arg6[%swap3A_190], %swap3A_193 {strides = array<i32>} : memref<768xf32, #tpu.memory_space<vmem>>, vector<16xf32>,
    %swap3A_194 = arith.constant 272 : index
    %swap3A_195 = tpu.vector_load %arg6[%swap3A_194] {strides = array<i32>} : memref<768xf32, #tpu.memory_space<vmem>>, vector<16xf32>,
    %swap3A_196 = vector.shape_cast %swap3A_195 : vector<16xf32> to vector<16xf32>
    %swap3A_197 = vector.shape_cast %scan3A_51#17 : vector<16xf32> to vector<16xf32>
    tpu.vector_store %arg6[%swap3A_194], %swap3A_197 {strides = array<i32>} : memref<768xf32, #tpu.memory_space<vmem>>, vector<16xf32>,
    %swap3A_198 = arith.constant 656 : index
    %swap3A_199 = tpu.vector_load %arg6[%swap3A_198] {strides = array<i32>} : memref<768xf32, #tpu.memory_space<vmem>>, vector<16xf32>,
    %swap3A_200 = vector.shape_cast %swap3A_199 : vector<16xf32> to vector<16xf32>
    %swap3A_201 = vector.shape_cast %scan3A_57#17 : vector<16xf32> to vector<16xf32>
    tpu.vector_store %arg6[%swap3A_198], %swap3A_201 {strides = array<i32>} : memref<768xf32, #tpu.memory_space<vmem>>, vector<16xf32>,
    %swap3A_202 = arith.constant 288 : index
    %swap3A_203 = tpu.vector_load %arg6[%swap3A_202] {strides = array<i32>} : memref<768xf32, #tpu.memory_space<vmem>>, vector<16xf32>,
    %swap3A_204 = vector.shape_cast %swap3A_203 : vector<16xf32> to vector<16xf32>
    %swap3A_205 = vector.shape_cast %scan3A_51#18 : vector<16xf32> to vector<16xf32>
    tpu.vector_store %arg6[%swap3A_202], %swap3A_205 {strides = array<i32>} : memref<768xf32, #tpu.memory_space<vmem>>, vector<16xf32>,
    %swap3A_206 = arith.constant 672 : index
    %swap3A_207 = tpu.vector_load %arg6[%swap3A_206] {strides = array<i32>} : memref<768xf32, #tpu.memory_space<vmem>>, vector<16xf32>,
    %swap3A_208 = vector.shape_cast %swap3A_207 : vector<16xf32> to vector<16xf32>
    %swap3A_209 = vector.shape_cast %scan3A_57#18 : vector<16xf32> to vector<16xf32>
    tpu.vector_store %arg6[%swap3A_206], %swap3A_209 {strides = array<i32>} : memref<768xf32, #tpu.memory_space<vmem>>, vector<16xf32>,
    %swap3A_210 = arith.constant 304 : index
    %swap3A_211 = tpu.vector_load %arg6[%swap3A_210] {strides = array<i32>} : memref<768xf32, #tpu.memory_space<vmem>>, vector<16xf32>,
    %swap3A_212 = vector.shape_cast %swap3A_211 : vector<16xf32> to vector<16xf32>
    %swap3A_213 = vector.shape_cast %scan3A_51#19 : vector<16xf32> to vector<16xf32>
    tpu.vector_store %arg6[%swap3A_210], %swap3A_213 {strides = array<i32>} : memref<768xf32, #tpu.memory_space<vmem>>, vector<16xf32>,
    %swap3A_214 = arith.constant 688 : index
    %swap3A_215 = tpu.vector_load %arg6[%swap3A_214] {strides = array<i32>} : memref<768xf32, #tpu.memory_space<vmem>>, vector<16xf32>,
    %swap3A_216 = vector.shape_cast %swap3A_215 : vector<16xf32> to vector<16xf32>
    %swap3A_217 = vector.shape_cast %scan3A_57#19 : vector<16xf32> to vector<16xf32>
    tpu.vector_store %arg6[%swap3A_214], %swap3A_217 {strides = array<i32>} : memref<768xf32, #tpu.memory_space<vmem>>, vector<16xf32>,
    %swap3A_218 = arith.constant 320 : index
    %swap3A_219 = tpu.vector_load %arg6[%swap3A_218] {strides = array<i32>} : memref<768xf32, #tpu.memory_space<vmem>>, vector<16xf32>,
    %swap3A_220 = vector.shape_cast %swap3A_219 : vector<16xf32> to vector<16xf32>
    %swap3A_221 = vector.shape_cast %scan3A_51#20 : vector<16xf32> to vector<16xf32>
    tpu.vector_store %arg6[%swap3A_218], %swap3A_221 {strides = array<i32>} : memref<768xf32, #tpu.memory_space<vmem>>, vector<16xf32>,
    %swap3A_222 = arith.constant 704 : index
    %swap3A_223 = tpu.vector_load %arg6[%swap3A_222] {strides = array<i32>} : memref<768xf32, #tpu.memory_space<vmem>>, vector<16xf32>,
    %swap3A_224 = vector.shape_cast %swap3A_223 : vector<16xf32> to vector<16xf32>
    %swap3A_225 = vector.shape_cast %scan3A_57#20 : vector<16xf32> to vector<16xf32>
    tpu.vector_store %arg6[%swap3A_222], %swap3A_225 {strides = array<i32>} : memref<768xf32, #tpu.memory_space<vmem>>, vector<16xf32>,
    %swap3A_226 = arith.constant 336 : index
    %swap3A_227 = tpu.vector_load %arg6[%swap3A_226] {strides = array<i32>} : memref<768xf32, #tpu.memory_space<vmem>>, vector<16xf32>,
    %swap3A_228 = vector.shape_cast %swap3A_227 : vector<16xf32> to vector<16xf32>
    %swap3A_229 = vector.shape_cast %scan3A_51#21 : vector<16xf32> to vector<16xf32>
    tpu.vector_store %arg6[%swap3A_226], %swap3A_229 {strides = array<i32>} : memref<768xf32, #tpu.memory_space<vmem>>, vector<16xf32>,
    %swap3A_230 = arith.constant 720 : index
    %swap3A_231 = tpu.vector_load %arg6[%swap3A_230] {strides = array<i32>} : memref<768xf32, #tpu.memory_space<vmem>>, vector<16xf32>,
    %swap3A_232 = vector.shape_cast %swap3A_231 : vector<16xf32> to vector<16xf32>
    %swap3A_233 = vector.shape_cast %scan3A_57#21 : vector<16xf32> to vector<16xf32>
    tpu.vector_store %arg6[%swap3A_230], %swap3A_233 {strides = array<i32>} : memref<768xf32, #tpu.memory_space<vmem>>, vector<16xf32>,
    %swap3A_234 = arith.constant 352 : index
    %swap3A_235 = tpu.vector_load %arg6[%swap3A_234] {strides = array<i32>} : memref<768xf32, #tpu.memory_space<vmem>>, vector<16xf32>,
    %swap3A_236 = vector.shape_cast %swap3A_235 : vector<16xf32> to vector<16xf32>
    %swap3A_237 = vector.shape_cast %scan3A_51#22 : vector<16xf32> to vector<16xf32>
    tpu.vector_store %arg6[%swap3A_234], %swap3A_237 {strides = array<i32>} : memref<768xf32, #tpu.memory_space<vmem>>, vector<16xf32>,
    %swap3A_238 = arith.constant 736 : index
    %swap3A_239 = tpu.vector_load %arg6[%swap3A_238] {strides = array<i32>} : memref<768xf32, #tpu.memory_space<vmem>>, vector<16xf32>,
    %swap3A_240 = vector.shape_cast %swap3A_239 : vector<16xf32> to vector<16xf32>
    %swap3A_241 = vector.shape_cast %scan3A_57#22 : vector<16xf32> to vector<16xf32>
    tpu.vector_store %arg6[%swap3A_238], %swap3A_241 {strides = array<i32>} : memref<768xf32, #tpu.memory_space<vmem>>, vector<16xf32>,
    %swap3A_242 = arith.constant 368 : index
    %swap3A_243 = tpu.vector_load %arg6[%swap3A_242] {strides = array<i32>} : memref<768xf32, #tpu.memory_space<vmem>>, vector<16xf32>,
    %swap3A_244 = vector.shape_cast %swap3A_243 : vector<16xf32> to vector<16xf32>
    %swap3A_245 = vector.shape_cast %scan3A_51#23 : vector<16xf32> to vector<16xf32>
    tpu.vector_store %arg6[%swap3A_242], %swap3A_245 {strides = array<i32>} : memref<768xf32, #tpu.memory_space<vmem>>, vector<16xf32>,
    %swap3A_246 = arith.constant 752 : index
    %swap3A_247 = tpu.vector_load %arg6[%swap3A_246] {strides = array<i32>} : memref<768xf32, #tpu.memory_space<vmem>>, vector<16xf32>,
    %swap3A_248 = vector.shape_cast %swap3A_247 : vector<16xf32> to vector<16xf32>
    %swap3A_249 = vector.shape_cast %scan3A_57#23 : vector<16xf32> to vector<16xf32>
    tpu.vector_store %arg6[%swap3A_246], %swap3A_249 {strides = array<i32>} : memref<768xf32, #tpu.memory_space<vmem>>, vector<16xf32>,
    "tpu.region"() ({
      %run_scoped3A = tpu.sem_alloc : memref<!tpu.dma_semaphore, #tpu.memory_space<semaphore_mem>>
      %dma_start3A_250 = arith.constant 0 : i32
      %dma_start3A_251 = tpu.memref_slice %arg3[%select_n3A_30, %select_n3A, %dma_start3A_250] : memref<2x16x768xf32, #tpu.memory_space<hbm>> -> memref<1x1x768xf32, #tpu.memory_space<hbm>>
      %dma_start3A_252 = tpu.memref_squeeze %dma_start3A_251 : memref<1x1x768xf32, #tpu.memory_space<hbm>> -> memref<768xf32, #tpu.memory_space<hbm>>
      %dma_start3A_253 = arith.constant 0 : i32
      %dma_start3A_254 = tpu.memref_slice %arg3[%select_n3A_30, %select_n3A, %dma_start3A_253] : memref<2x16x768xf32, #tpu.memory_space<hbm>> -> memref<1x1x768xf32, #tpu.memory_space<hbm>>
      %dma_start3A_255 = tpu.memref_squeeze %dma_start3A_254 : memref<1x1x768xf32, #tpu.memory_space<hbm>> -> memref<768xf32, #tpu.memory_space<hbm>>
      tpu.enqueue_dma source(%arg6 : memref<768xf32, #tpu.memory_space<vmem>>) target(%dma_start3A_255 : memref<768xf32, #tpu.memory_space<hbm>>) target_semaphore(%run_scoped3A : memref<!tpu.dma_semaphore, #tpu.memory_space<semaphore_mem>>)
      %dma_wait3A_256 = arith.constant 0 : i32
      %dma_wait3A_257 = tpu.memref_slice %arg3[%select_n3A_30, %select_n3A, %dma_wait3A_256] : memref<2x16x768xf32, #tpu.memory_space<hbm>> -> memref<1x1x768xf32, #tpu.memory_space<hbm>>
      %dma_wait3A_258 = tpu.memref_squeeze %dma_wait3A_257 : memref<1x1x768xf32, #tpu.memory_space<hbm>> -> memref<768xf32, #tpu.memory_space<hbm>>
      %dma_wait3A_259 = arith.constant 0 : i32
      %dma_wait3A_260 = tpu.memref_slice %arg3[%select_n3A_30, %select_n3A, %dma_wait3A_259] : memref<2x16x768xf32, #tpu.memory_space<hbm>> -> memref<1x1x768xf32, #tpu.memory_space<hbm>>
      %dma_wait3A_261 = tpu.memref_squeeze %dma_wait3A_260 : memref<1x1x768xf32, #tpu.memory_space<hbm>> -> memref<768xf32, #tpu.memory_space<hbm>>
      tpu.wait_dma2 semaphore(%run_scoped3A : memref<!tpu.dma_semaphore, #tpu.memory_space<semaphore_mem>>) src(%arg6 : memref<768xf32, #tpu.memory_space<vmem>>) dst(%dma_wait3A_261 : memref<768xf32, #tpu.memory_space<hbm>>)
      tpu.yield
    }) : () -> ()
    return
  }
}

module attributes {stable_mosaic.version = 14 : i64} {
  func.func @_tc_merge_body(%arg0: i32, %arg1: memref<104x768xf32, #tpu.memory_space<vmem>>, %arg2: memref<16x768xf32, #tpu.memory_space<vmem>>, %arg3: memref<2x16x768xf32, #tpu.memory_space<vmem>>, %arg4: memref<16x100xf32, #tpu.memory_space<vmem>>, %arg5: memref<16x3xf32, #tpu.memory_space<vmem>>, %arg6: memref<16x3xi32, #tpu.memory_space<vmem>>, %arg7: memref<1x1xf32, #tpu.memory_space<vmem>>) attributes {dimension_semantics = [#tpu.dimension_semantics<arbitrary>], iteration_bounds = array<i64: 1>, scalar_prefetch = 0 : i64, scratch_operands = 0 : i64, tpu.core_type = #tpu.core_type<tc>, window_params = [{transform_indices = @transform_0, window_bounds = array<i64: 104, 768>}, {pipeline_mode = #tpu.pipeline_mode<synchronous>, transform_indices = @transform_1, window_bounds = array<i64: 16, 768>}, {pipeline_mode = #tpu.pipeline_mode<synchronous>, transform_indices = @transform_2, window_bounds = array<i64: 2, 16, 768>}, {pipeline_mode = #tpu.pipeline_mode<synchronous>, transform_indices = @transform_3, window_bounds = array<i64: 16, 100>}, {pipeline_mode = #tpu.pipeline_mode<synchronous>, transform_indices = @transform_4, window_bounds = array<i64: 16, 3>}, {pipeline_mode = #tpu.pipeline_mode<synchronous>, transform_indices = @transform_5, window_bounds = array<i64: 16, 3>}, {pipeline_mode = #tpu.pipeline_mode<synchronous>, transform_indices = @transform_6, window_bounds = array<i64: 1, 1>}]} {
    %get3A = arith.constant 0 : index
    %get3A_0 = arith.constant 0 : index
    %get3A_1 = vector.load %arg2[%get3A, %get3A_0] : memref<16x768xf32, #tpu.memory_space<vmem>>, vector<16x768xf32>
    %get3A_2 = arith.constant 0 : index
    %get3A_3 = arith.constant 0 : index
    %get3A_4 = arith.constant 0 : index
    %get3A_5 = vector.load %arg3[%get3A_2, %get3A_3, %get3A_4] : memref<2x16x768xf32, #tpu.memory_space<vmem>>, vector<1x16x768xf32>
    %get3A_6 = vector.shape_cast %get3A_5 : vector<1x16x768xf32> to vector<16x768xf32>
    %add3A = arith.addf %get3A_1, %get3A_6 : vector<16x768xf32>
    %get3A_7 = arith.constant 1 : index
    %get3A_8 = arith.constant 0 : index
    %get3A_9 = arith.constant 0 : index
    %get3A_10 = vector.load %arg3[%get3A_7, %get3A_8, %get3A_9] : memref<2x16x768xf32, #tpu.memory_space<vmem>>, vector<1x16x768xf32>
    %get3A_11 = vector.shape_cast %get3A_10 : vector<1x16x768xf32> to vector<16x768xf32>
    %add3A_12 = arith.addf %add3A, %get3A_11 : vector<16x768xf32>
    %mul3A = arith.constant 4.8828125E-4 : f32
    %mul3A_13 = vector.broadcast %mul3A : f32 to vector<16x768xf32>
    %mul3A_14 = arith.mulf %add3A_12, %mul3A_13 : vector<16x768xf32>
    %mul3A_15 = arith.mulf %mul3A_14, %mul3A_14 : vector<16x768xf32>
    %reduce_sum3A = arith.constant dense<0.000000e+00> : vector<16xf32>
    %reduce_sum3A_16 = vector.multi_reduction <add>, %mul3A_15, %reduce_sum3A [1] : vector<16x768xf32> to vector<16xf32>
    %broadcast_in_dim3A = vector.shape_cast %reduce_sum3A_16 : vector<16xf32> to vector<16x1xf32>
    %max3A = arith.constant 9.99999996E-13 : f32
    %max3A_17 = vector.broadcast %max3A : f32 to vector<16x1xf32>
    %max3A_18 = arith.maximumf %broadcast_in_dim3A, %max3A_17 : vector<16x1xf32>
    %rsqrt3A = math.rsqrt %max3A_18 : vector<16x1xf32>
    %mul3A_19 = vector.broadcast %rsqrt3A : vector<16x1xf32> to vector<16x768xf32>
    %mul3A_20 = arith.mulf %mul3A_14, %mul3A_19 : vector<16x768xf32>
    %get3A_21 = arith.constant 0 : index
    %get3A_22 = arith.constant 0 : index
    %get3A_23 = vector.load %arg1[%get3A_21, %get3A_22] : memref<104x768xf32, #tpu.memory_space<vmem>>, vector<104x768xf32>
    %mul3A_24 = arith.mulf %get3A_23, %get3A_23 : vector<104x768xf32>
    %reduce_sum3A_25 = arith.constant dense<0.000000e+00> : vector<104xf32>
    %reduce_sum3A_26 = vector.multi_reduction <add>, %mul3A_24, %reduce_sum3A_25 [1] : vector<104x768xf32> to vector<104xf32>
    %broadcast_in_dim3A_27 = vector.shape_cast %reduce_sum3A_26 : vector<104xf32> to vector<104x1xf32>
    %max3A_28 = arith.constant 9.99999996E-13 : f32
    %max3A_29 = vector.broadcast %max3A_28 : f32 to vector<104x1xf32>
    %max3A_30 = arith.maximumf %broadcast_in_dim3A_27, %max3A_29 : vector<104x1xf32>
    %rsqrt3A_31 = math.rsqrt %max3A_30 : vector<104x1xf32>
    %mul3A_32 = vector.broadcast %rsqrt3A_31 : vector<104x1xf32> to vector<104x768xf32>
    %mul3A_33 = arith.mulf %get3A_23, %mul3A_32 : vector<104x768xf32>
    %dot_general3A = arith.constant dense<0.000000e+00> : vector<16x104xf32>
    %dot_general3A_34 = tpu.matmul %mul3A_20, %mul3A_33, %dot_general3A {dimension_numbers = #tpu.dot_dimension_numbers<[1], [1], [0], [0], [0, 0, 1, 0], [], []>, transpose_lhs_hint = false} : vector<16x768xf32>, vector<104x768xf32>, vector<16x104xf32> -> vector<16x104xf32>
    %iota3A = tpu.iota {dimensions = array<i32: 1>} : vector<16x104xi32>
    %lt3A = arith.constant 100 : i32
    %lt3A_35 = vector.broadcast %lt3A : i32 to vector<16x104xi32>
    %lt3A_36 = arith.cmpi slt, %iota3A, %lt3A_35 : vector<16x104xi32>
    %jit3A = arith.constant -3.000000e+00 : f32
    %broadcast_in_dim3A_37 = vector.broadcast %jit3A : f32 to vector<16x104xf32>
    %select_n3A = arith.select %lt3A_36, %dot_general3A_34, %broadcast_in_dim3A_37 : vector<16x104xi1>, vector<16x104xf32>
    %slice3A = vector.extract_strided_slice %select_n3A {offsets = [0, 0], sizes = [16, 100], strides = [1, 1]} : vector<16x104xf32> to vector<16x100xf32>
    %swap3A = arith.constant 0 : index
    %swap3A_38 = arith.constant 0 : index
    %swap3A_39 = vector.load %arg4[%swap3A, %swap3A_38] : memref<16x100xf32, #tpu.memory_space<vmem>>, vector<16x100xf32>
    tpu.vector_store %arg4[%swap3A, %swap3A_38], %slice3A {strides = array<i32>} : memref<16x100xf32, #tpu.memory_space<vmem>>, vector<16x100xf32>,
    %reduce_max3A = arith.constant dense<0xFF800000> : vector<16xf32>
    %reduce_max3A_40 = vector.multi_reduction <maximumf>, %select_n3A, %reduce_max3A [1] : vector<16x104xf32> to vector<16xf32>
    %broadcast_in_dim3A_41 = vector.shape_cast %reduce_max3A_40 : vector<16xf32> to vector<16x1xf32>
    %eq3A = vector.broadcast %broadcast_in_dim3A_41 : vector<16x1xf32> to vector<16x104xf32>
    %eq3A_42 = arith.cmpf oeq, %select_n3A, %eq3A : vector<16x104xf32>
    %jit3A_43 = arith.constant 104 : i32
    %broadcast_in_dim3A_44 = vector.broadcast %jit3A_43 : i32 to vector<16x104xi32>
    %select_n3A_45 = arith.select %eq3A_42, %iota3A, %broadcast_in_dim3A_44 : vector<16x104xi1>, vector<16x104xi32>
    %reduce_min3A = arith.constant dense<2147483647> : vector<16xi32>
    %reduce_min3A_46 = vector.multi_reduction <minsi>, %select_n3A_45, %reduce_min3A [1] : vector<16x104xi32> to vector<16xi32>
    %broadcast_in_dim3A_47 = vector.shape_cast %reduce_min3A_46 : vector<16xi32> to vector<16x1xi32>
    %eq3A_48 = vector.broadcast %broadcast_in_dim3A_47 : vector<16x1xi32> to vector<16x104xi32>
    %eq3A_49 = arith.cmpi eq, %iota3A, %eq3A_48 : vector<16x104xi32>
    %jit3A_50 = arith.constant -4.000000e+00 : f32
    %broadcast_in_dim3A_51 = vector.broadcast %jit3A_50 : f32 to vector<16x104xf32>
    %select_n3A_52 = arith.select %eq3A_49, %broadcast_in_dim3A_51, %select_n3A : vector<16x104xi1>, vector<16x104xf32>
    %reduce_max3A_53 = arith.constant dense<0xFF800000> : vector<16xf32>
    %reduce_max3A_54 = vector.multi_reduction <maximumf>, %select_n3A_52, %reduce_max3A_53 [1] : vector<16x104xf32> to vector<16xf32>
    %broadcast_in_dim3A_55 = vector.shape_cast %reduce_max3A_54 : vector<16xf32> to vector<16x1xf32>
    %eq3A_56 = vector.broadcast %broadcast_in_dim3A_55 : vector<16x1xf32> to vector<16x104xf32>
    %eq3A_57 = arith.cmpf oeq, %select_n3A_52, %eq3A_56 : vector<16x104xf32>
    %jit3A_58 = arith.constant 104 : i32
    %broadcast_in_dim3A_59 = vector.broadcast %jit3A_58 : i32 to vector<16x104xi32>
    %select_n3A_60 = arith.select %eq3A_57, %iota3A, %broadcast_in_dim3A_59 : vector<16x104xi1>, vector<16x104xi32>
    %reduce_min3A_61 = arith.constant dense<2147483647> : vector<16xi32>
    %reduce_min3A_62 = vector.multi_reduction <minsi>, %select_n3A_60, %reduce_min3A_61 [1] : vector<16x104xi32> to vector<16xi32>
    %broadcast_in_dim3A_63 = vector.shape_cast %reduce_min3A_62 : vector<16xi32> to vector<16x1xi32>
    %eq3A_64 = vector.broadcast %broadcast_in_dim3A_63 : vector<16x1xi32> to vector<16x104xi32>
    %eq3A_65 = arith.cmpi eq, %iota3A, %eq3A_64 : vector<16x104xi32>
    %jit3A_66 = arith.constant -4.000000e+00 : f32
    %broadcast_in_dim3A_67 = vector.broadcast %jit3A_66 : f32 to vector<16x104xf32>
    %select_n3A_68 = arith.select %eq3A_65, %broadcast_in_dim3A_67, %select_n3A_52 : vector<16x104xi1>, vector<16x104xf32>
    %reduce_max3A_69 = arith.constant dense<0xFF800000> : vector<16xf32>
    %reduce_max3A_70 = vector.multi_reduction <maximumf>, %select_n3A_68, %reduce_max3A_69 [1] : vector<16x104xf32> to vector<16xf32>
    %broadcast_in_dim3A_71 = vector.shape_cast %reduce_max3A_70 : vector<16xf32> to vector<16x1xf32>
    %eq3A_72 = vector.broadcast %broadcast_in_dim3A_71 : vector<16x1xf32> to vector<16x104xf32>
    %eq3A_73 = arith.cmpf oeq, %select_n3A_68, %eq3A_72 : vector<16x104xf32>
    %jit3A_74 = arith.constant 104 : i32
    %broadcast_in_dim3A_75 = vector.broadcast %jit3A_74 : i32 to vector<16x104xi32>
    %select_n3A_76 = arith.select %eq3A_73, %iota3A, %broadcast_in_dim3A_75 : vector<16x104xi1>, vector<16x104xi32>
    %reduce_min3A_77 = arith.constant dense<2147483647> : vector<16xi32>
    %reduce_min3A_78 = vector.multi_reduction <minsi>, %select_n3A_76, %reduce_min3A_77 [1] : vector<16x104xi32> to vector<16xi32>
    %broadcast_in_dim3A_79 = vector.shape_cast %reduce_min3A_78 : vector<16xi32> to vector<16x1xi32>
    %concatenate3A = tpu.concatenate %broadcast_in_dim3A_41, %broadcast_in_dim3A_55, %broadcast_in_dim3A_71 in 1 : vector<16x1xf32>, vector<16x1xf32>, vector<16x1xf32> -> vector<16x3xf32>
    %swap3A_80 = arith.constant 0 : index
    %swap3A_81 = arith.constant 0 : index
    %swap3A_82 = vector.load %arg5[%swap3A_80, %swap3A_81] : memref<16x3xf32, #tpu.memory_space<vmem>>, vector<16x3xf32>
    tpu.vector_store %arg5[%swap3A_80, %swap3A_81], %concatenate3A {strides = array<i32>} : memref<16x3xf32, #tpu.memory_space<vmem>>, vector<16x3xf32>,
    %concatenate3A_83 = tpu.concatenate %broadcast_in_dim3A_47, %broadcast_in_dim3A_63, %broadcast_in_dim3A_79 in 1 : vector<16x1xi32>, vector<16x1xi32>, vector<16x1xi32> -> vector<16x3xi32>
    %swap3A_84 = arith.constant 0 : index
    %swap3A_85 = arith.constant 0 : index
    %swap3A_86 = vector.load %arg6[%swap3A_84, %swap3A_85] : memref<16x3xi32, #tpu.memory_space<vmem>>, vector<16x3xi32>
    tpu.vector_store %arg6[%swap3A_84, %swap3A_85], %concatenate3A_83 {strides = array<i32>} : memref<16x3xi32, #tpu.memory_space<vmem>>, vector<16x3xi32>,
    %reduce_sum3A_87 = vector.shape_cast %concatenate3A : vector<16x3xf32> to vector<1x16x3xf32>
    %reduce_sum3A_88 = arith.constant dense<0.000000e+00> : vector<1xf32>
    %reduce_sum3A_89 = vector.multi_reduction <add>, %reduce_sum3A_87, %reduce_sum3A_88 [1, 2] : vector<1x16x3xf32> to vector<1xf32>
    %reduce_sum3A_90 = vector.shape_cast %reduce_sum3A_89 : vector<1xf32> to vector<1x1x1xf32>
    %reduce_sum3A_91 = vector.extract %reduce_sum3A_90[0, 0, 0] : f32 from vector<1x1x1xf32>
    %broadcast_in_dim3A_92 = vector.broadcast %reduce_sum3A_91 : f32 to vector<1x1xf32>
    %mul3A_93 = arith.constant 6.250000e-02 : f32
    %mul3A_94 = vector.broadcast %mul3A_93 : f32 to vector<1x1xf32>
    %mul3A_95 = arith.mulf %broadcast_in_dim3A_92, %mul3A_94 : vector<1x1xf32>
    %swap3A_96 = arith.constant 0 : index
    %swap3A_97 = arith.constant 0 : index
    %swap3A_98 = vector.load %arg7[%swap3A_96, %swap3A_97] : memref<1x1xf32, #tpu.memory_space<vmem>>, vector<1x1xf32>
    tpu.vector_store %arg7[%swap3A_96, %swap3A_97], %mul3A_95 {strides = array<i32>} : memref<1x1xf32, #tpu.memory_space<vmem>>, vector<1x1xf32>,
    return
  }
  func.func @transform_0(%arg0: i32) -> (i32, i32) {
    %c0_i32 = arith.constant 0 : i32
    %c0_i32_0 = arith.constant 0 : i32
    %c0_i32_1 = arith.constant 0 : i32
    return %c0_i32, %c0_i32_0 : i32, i32
  }
  func.func @transform_1(%arg0: i32) -> (i32, i32) {
    %c0_i32 = arith.constant 0 : i32
    %c0_i32_0 = arith.constant 0 : i32
    %c0_i32_1 = arith.constant 0 : i32
    return %c0_i32, %c0_i32_0 : i32, i32
  }
  func.func @transform_2(%arg0: i32) -> (i32, i32, i32) {
    %c0_i32 = arith.constant 0 : i32
    %c0_i32_0 = arith.constant 0 : i32
    %c0_i32_1 = arith.constant 0 : i32
    %c0_i32_2 = arith.constant 0 : i32
    return %c0_i32, %c0_i32_0, %c0_i32_1 : i32, i32, i32
  }
  func.func @transform_3(%arg0: i32) -> (i32, i32) {
    %c0_i32 = arith.constant 0 : i32
    %c0_i32_0 = arith.constant 0 : i32
    %c0_i32_1 = arith.constant 0 : i32
    return %c0_i32, %c0_i32_0 : i32, i32
  }
  func.func @transform_4(%arg0: i32) -> (i32, i32) {
    %c0_i32 = arith.constant 0 : i32
    %c0_i32_0 = arith.constant 0 : i32
    %c0_i32_1 = arith.constant 0 : i32
    return %c0_i32, %c0_i32_0 : i32, i32
  }
  func.func @transform_5(%arg0: i32) -> (i32, i32) {
    %c0_i32 = arith.constant 0 : i32
    %c0_i32_0 = arith.constant 0 : i32
    %c0_i32_1 = arith.constant 0 : i32
    return %c0_i32, %c0_i32_0 : i32, i32
  }
  func.func @transform_6(%arg0: i32) -> (i32, i32) {
    %c0_i32 = arith.constant 0 : i32
    %c0_i32_0 = arith.constant 0 : i32
    %c0_i32_1 = arith.constant 0 : i32
    return %c0_i32, %c0_i32_0 : i32, i32
  }
}

module attributes {stable_mosaic.version = 14 : i64} {
  func.func @_tc_head_body(%arg0: i32, %arg1: memref<1x1984x768xf32, #tpu.memory_space<vmem>>, %arg2: memref<16x768xf32, #tpu.memory_space<vmem>>) attributes {dimension_semantics = [#tpu.dimension_semantics<arbitrary>], iteration_bounds = array<i64: 16>, scalar_prefetch = 0 : i64, scratch_operands = 0 : i64, tpu.core_type = #tpu.core_type<tc>, window_params = [{transform_indices = @transform_0, window_bounds = array<i64: 1, 1984, 768>}, {pipeline_mode = #tpu.pipeline_mode<synchronous>, transform_indices = @transform_1, window_bounds = array<i64: 16, 768>}]} {
    %get3A = arith.constant 0 : index
    %get3A_0 = arith.constant 0 : index
    %get3A_1 = arith.constant 0 : index
    %get3A_2 = vector.load %arg1[%get3A, %get3A_0, %get3A_1] : memref<1x1984x768xf32, #tpu.memory_space<vmem>>, vector<1x1984x768xf32>
    %get3A_3 = vector.shape_cast %get3A_2 : vector<1x1984x768xf32> to vector<1984x768xf32>
    %reduce_sum3A = arith.constant dense<0.000000e+00> : vector<768xf32>
    %reduce_sum3A_4 = vector.multi_reduction <add>, %get3A_3, %reduce_sum3A [0] : vector<1984x768xf32> to vector<768xf32>
    %broadcast_in_dim3A = vector.shape_cast %reduce_sum3A_4 : vector<768xf32> to vector<1x768xf32>
    %swap3A = arith.index_cast %arg0 : i32 to index
    %swap3A_5 = arith.constant 0 : index
    %swap3A_6 = vector.load %arg2[%swap3A, %swap3A_5] : memref<16x768xf32, #tpu.memory_space<vmem>>, vector<1x768xf32>
    tpu.vector_store %arg2[%swap3A, %swap3A_5], %broadcast_in_dim3A {strides = array<i32>} : memref<16x768xf32, #tpu.memory_space<vmem>>, vector<1x768xf32>,
    return
  }
  func.func @transform_0(%arg0: i32) -> (i32, i32, i32) {
    %c0_i32 = arith.constant 0 : i32
    %c0_i32_0 = arith.constant 0 : i32
    %c0_i32_1 = arith.constant 0 : i32
    return %arg0, %c0_i32, %c0_i32_0 : i32, i32, i32
  }
  func.func @transform_1(%arg0: i32) -> (i32, i32) {
    %c0_i32 = arith.constant 0 : i32
    %c0_i32_0 = arith.constant 0 : i32
    %c0_i32_1 = arith.constant 0 : i32
    return %c0_i32, %c0_i32_0 : i32, i32
  }
}

</mosaic_0001>

<sc_bundles>
// kernel: kernel.5.cloned.1.call-start
scs
__scs_entry_jumppad:
0x0: {  	(pc) =	sbr.rel $0x88, $3  }
0x1: {  	(tag) =	ssettag $0x0;
	lr =	simm.s32 $0x1  }
0x2: {  	[smem:$0x3F9F] =	sst lr;
	_ =	strace $0xD0000000  }
0x3: {  	_ = 	snop  }
0x4: {  	_ = 	snop  }
0x5: {  	_ = 	snop  }
0x6: {  	_ = 	snop  }
0x7: {  	_ = 	snop  }
__scs_overlays_trampoline_lowered:
0x8: {  	[smem:$0x3FAE] =	sst s0  }
0x9: {  	[smem:$0x3FAF] =	sst s1  }
0xa: {  	[smem:$0x3FB0] =	sst s2  }
0xb: {  	[smem:$0x3FB1] =	sst s3  }
0xc: {  	[smem:$0x3FB2] =	sst s4  }
0xd: {  	[smem:$0x3FB3] =	sst s5  }
0xe: {  	[smem:$0x3FB4] =	sst s6  }
0xf: {  	[smem:$0x3FB5] =	sst s7  }
0x10: {  	[smem:$0x3FB6] =	sst s8  }
0x11: {  	[smem:$0x3FB7] =	sst s9;
	s0 =	simm.s32 @!p0 $0x0  }
0x12: {  	s1 =	sld [smem:$0x3F9D];
	s0 =	simm.s32 @p0 $0x1  }
0x13: {  	[smem:$0x3FB8] =	sst s0;
	s0 =	simm.s32 @!p1 $0x0  }
0x14: {  	s2 =	sld [smem:$0x3F9C];
	s0 =	simm.s32 @p1 $0x1  }
0x15: {  	[smem:$0x3FB9] =	sst s0;
	s0 =	simm.s32 @!p2 $0x0  }
0x16: {  	s3 =	sld [smem:$0x3FDB];
	s0 =	simm.s32 @p2 $0x1  }
0x17: {  	s4 =	simm.s32 $0x1BF5;
	[smem:$0x3FBB] =	sst s0  }
0x18: {  	s0 =	sld [smem:$0x3F9E];
	_ =	swait.ge [sflag:s4], $0x0  }
0x19: {  	s7 =	sld [smem:$0x3F9F]  }
0x1a: {  	s8 =	sadd.s32 $0xFFFFE003, lr  }
0x1b: {  	s9 =	sadd.s32 $0xFFFFFEF7, lr;
	s5 =	simm.s32 $0xFFFFFFFF;
	p2 =	slt.u32 s8, $0xFFFFF086  }
0x1c: {  	p1 =	slt.u32 s9, $0xF7A;
	s5 =	simm.s32 @!p2 $0x0  }
0x1d: {  	s5 =	simm.s32 @p1 $0x1;
	p0 =	seq.s32 s7, s2  }
0x1e: {  	s7 =	smul.u32 @!p0 $0xF7A, s2;
	p2 =	seq.s32 @!p0 s5, $0x0  }
0x1f: {  	s9 =	smul.u32 $0xF7A, s1;
	s8 =	simm.s32 @!p0 $0x1BF5;
	p2 =	por !p2, p0  }
0x20: {  	[sflag:s8] =	ssyncset.s32 @!p0 $0xFFFFF086;
	s6 =	sadd.s32 @!p0 s3, s7;
	s7 =	simm.s32 @!p0 $0x108  }
0x21: {  	s3 =	sadd.s32 s3, s9;
	s6 =	sadd.s32 @!p0 $0x88, s6;
	s7 =	simm.s32 @p2 $0x1082  }
0x22: {  	[simem:s7], [sflag:s8] =	dma.local @!p0 [hbm:s6], $0xF7A  }
0x23: {  	s9 =	sor.u32 $0xD0000000, s2;
	s6 =	simm.s32 $0x108;
	_ =	swait.ge @!p0 [sflag:s8], $0x0  }
0x24: {  	s3 =	sadd.s32 $0x88, s3;
	s6 =	simm.s32 @!p1 $0x1082;
	[sflag:s4] =	ssyncset.s32 $0xFFFFF086  }
0x25: {  	[simem:s6], [sflag:s4] =	dma.local [hbm:s3], $0xF7A  }
0x26: {  	[smem:$0x3F9F] =	sst s1;
	(tag) =	ssettag s2;
	_ =	strace s9  }
0x27: {  	s1 =	sld [smem:$0x3FAF]  }
0x28: {  	s2 =	sld [smem:$0x3FB0]  }
0x29: {  	s4 =	sld [smem:$0x3FB2]  }
0x2a: {  	p0 =	seq.s32 s5, $0x0;
	s5 =	sld [smem:$0x3FB3]  }
0x2b: {  	s6 =	sld [smem:$0x3FB4]  }
0x2c: {  	s7 =	sld [smem:$0x3FB5]  }
0x2d: {  	s3 =	simm.s32 $0x108;
	s8 =	sld [smem:$0x3FB6]  }
0x2e: {  	s3 =	simm.s32 @!p0 $0x1082;
	s9 =	sld [smem:$0x3FB7]  }
0x2f: {  	lr =	sadd.s32 s0, s3;
	s0 =	sld [smem:$0x3FAE]  }
0x30: {  	s3 =	sld [smem:$0x3FB1]  }
0x31: {  	[smem:$0x3FBA] =	sst s10  }
0x32: {  	s10 =	sld [smem:$0x3FB8];
	_ =	sdelay $0x3  }
0x33: {  	p0 =	seq.s32 s10, $0x1;
	s10 =	sld [smem:$0x3FBA];
	_ =	sdelay $0x3  }
0x34: {  	[smem:$0x3FBA] =	sst s10  }
0x35: {  	s10 =	sld [smem:$0x3FB9];
	_ =	sdelay $0x3  }
0x36: {  	p1 =	seq.s32 s10, $0x1;
	s10 =	sld [smem:$0x3FBA];
	_ =	sdelay $0x3  }
0x37: {  	[smem:$0x3FBA] =	sst s10  }
0x38: {  	s10 =	sld [smem:$0x3FBB]  }
0x39: {  	_ = 	snop;
	(pc) =	sbr.ind lr, $3  }
0x3a: {  	_ = 	snop  }
0x3b: {  	_ = 	snop  }
0x3c: {  	p2 =	seq.s32 s10, $0x1;
	s10 =	sld [smem:$0x3FBA]  }
0x3d: {  	_ =	shalt  }
0x3e: {  	_ =	shalt  }
0x3f: {  	_ =	shalt  }
0x40: {  	_ =	shalt  }
0x41: {  	_ =	shalt  }
0x42: {  	_ =	shalt  }
0x43: {  	_ =	shalt  }
0x44: {  	_ =	shalt  }
0x45: {  	_ =	shalt  }
0x46: {  	_ =	shalt  }
0x47: {  	_ =	shalt  }
0x48: {  	_ =	shalt  }
0x49: {  	_ =	shalt  }
0x4a: {  	_ =	shalt  }
0x4b: {  	_ =	shalt  }
0x4c: {  	_ =	shalt  }
0x4d: {  	_ =	shalt  }
0x4e: {  	_ =	shalt  }
0x4f: {  	_ =	shalt  }
0x50: {  	_ =	shalt  }
0x51: {  	_ =	shalt  }
0x52: {  	_ =	shalt  }
0x53: {  	_ =	shalt  }
0x54: {  	_ =	shalt  }
0x55: {  	_ =	shalt  }
0x56: {  	_ =	shalt  }
0x57: {  	_ =	shalt  }
0x58: {  	_ =	shalt  }
0x59: {  	_ =	shalt  }
0x5a: {  	_ =	shalt  }
0x5b: {  	_ =	shalt  }
0x5c: {  	_ =	shalt  }
0x5d: {  	_ =	shalt  }
0x5e: {  	_ =	shalt  }
0x5f: {  	_ =	shalt  }
0x60: {  	_ =	shalt  }
0x61: {  	_ =	shalt  }
0x62: {  	_ =	shalt  }
0x63: {  	_ =	shalt  }
0x64: {  	_ =	shalt  }
0x65: {  	_ =	shalt  }
0x66: {  	_ =	shalt  }
0x67: {  	_ =	shalt  }
0x68: {  	_ =	shalt  }
0x69: {  	_ =	shalt  }
0x6a: {  	_ =	shalt  }
0x6b: {  	_ =	shalt  }
0x6c: {  	_ =	shalt  }
0x6d: {  	_ =	shalt  }
0x6e: {  	_ =	shalt  }
0x6f: {  	_ =	shalt  }
0x70: {  	_ =	shalt  }
0x71: {  	_ =	shalt  }
0x72: {  	_ =	shalt  }
0x73: {  	_ =	shalt  }
0x74: {  	_ =	shalt  }
0x75: {  	_ =	shalt  }
0x76: {  	_ =	shalt  }
0x77: {  	_ =	shalt  }
0x78: {  	_ =	shalt  }
0x79: {  	_ =	shalt  }
0x7a: {  	_ =	shalt  }
0x7b: {  	_ =	shalt  }
0x7c: {  	_ =	shalt  }
0x7d: {  	_ =	shalt  }
0x7e: {  	_ =	shalt  }
0x7f: {  	_ =	shalt  }
0x80: {  	_ =	shalt  }
0x81: {  	_ =	shalt  }
0x82: {  	_ =	shalt  }
0x83: {  	_ =	shalt  }
0x84: {  	_ =	shalt  }
0x85: {  	_ =	shalt  }
0x86: {  	_ =	shalt  }
0x87: {  	_ =	shalt  }
.Lfunc_end0:
.L_simem_size_0:
called_computation_lowered:
.L_overlay_start_0:
0x88: {  	s2 =	sld [smem:$0x3FD9]  }
0x89: {  	s3 =	sld [smem:$0x3FFE];
	_ =	sdelay $0x1  }
0x8a: {  	s1 =	srdreg.scid  }
0x8b: {  	s0 =	sand.u32 $0x1, s1  }
0x8c: {  	s17 =	sshll.u32 s0, $0xA;
	s2 =	sadd.s32 s3, s2  }
0x8d: {  	s2 =	sadd.s32 s2, s17  }
0x8e: {  	[smem:$0x3FC6] =	sst s2  }
0x8f: {  	_ = 	snop  }
0x90: {  	s2 =	sld [smem:$0x3FC9];
	(tm) =	ssettm $0x1  }
0x91: {  	s18 =	sld [smem:$0x3FFB];
	_ =	sdelay $0x3  }
0x92: {  	_ =	strace s18  }
0x93: {  	s3 =	sld [smem:$0x3FFC];
	_ =	sdelay $0x3  }
0x94: {  	_ =	strace s3  }
0x95: {  	s3 =	sld [smem:$0x3FFD];
	_ =	sdelay $0x3  }
0x96: {  	_ =	strace s3  }
0x97: {  	_ =	strace $0x8FFFFFFF  }
0x98: {  	s19 =	sld [smem:$0x3FDB];
	_ =	sdelay $0x1  }
0x99: {  	s4 =	simm.s32 $_scs_section_size  }
0x9a: {  	s5 =	simm.s32 $_size__tile_overlayer_lowered;
	s6 =	simm.s32 $_tile_overlayer_lowered  }
0x9b: {  	s22 =	simm.s32 $0x1BFF;
	s21 =	sshll.u32 s6, $0x1;
	s3 =	sadd.s32 s4, s19  }
0x9c: {  	s7 =	simm.s32 $0x0;
	s20 =	sshll.u32 s5, $0x1;
	s5 =	sadd.s32 s21, s3  }
0x9d: {  	[timem:s7], [sflag:s22] =	dma.local [hbm:s5], s20  }
0x9e: {  	_ =	swait.ge [sflag:s22], s20  }
0x9f: {  	s4 =	ssub.s32 $0x0, s20;
	[sflag:s22] =	ssyncset.done $0x0  }
0xa0: {  	[sflag:s22] =	ssyncadd.s32 s4;
	_ =	sdelay $0x1  }
0xa1: {  	s23 =	simm.s32 $0x1B8B  }
0xa2: {  	_ =	swait.ge [sflag:s23], $0x1  }
0xa3: {  	[sflag:s23] =	ssyncset.done $0x0  }
0xa4: {  	s25 =	simm.s32 $0x1B8E;
	s24 =	sld [smem:$0x3FFE];
	[sflag:s23] =	ssyncadd.s32 $0xFFFFFFFF  }
0xa5: {  	s26 =	simm.s32 $execute0_lowered;
	[smem:$0x3FD2] =	sst s25  }
0xa6: {  	s5 =	sshll.u32 s26, $0x1;
	_ =	strace $0x80000046;
	[dreg:$0x1] =	wrdreg $0xFFFFFFFF  }
0xa7: {  	s28 =	simm.s32 $_size_execute0_lowered;
	s3 =	sadd.s32 s3, s5;
	[dreg:$0x0] =	wrdreg $0x0  }
0xa8: {  	s5 =	sshll.u32 s28, $0x1;
	[dreg:$0x2] =	wrdreg s3  }
0xa9: {  	[dreg:$0x3] =	wrdreg s5  }
0xaa: {  	[dreg:$0x4] =	wrdreg $0xC0  }
0xab: {  	_ =	task [dreg:s7], $0x5FFFF  }
0xac: {  	[dreg:$0x1] =	wrdreg $0xFFFFFFFF  }
0xad: {  	[dreg:$0x0] =	wrdreg $0x60  }
0xae: {  	[dreg:$0x2] =	wrdreg s2  }
0xaf: {  	[dreg:$0x3] =	wrdreg s24  }
0xb0: {  	[dreg:$0x4] =	wrdreg $0x9  }
0xb1: {  	_ =	task.clear_ibuf [dreg:s7], $0x5FFFF;
	_ =	strace $0x90000046  }
0xb2: {  	s29 =	simm.s32 $0x9;
	_ =	strace $0x80000048  }
0xb3: {  	_ =	swait.ge [sflag:s29], $0x1  }
0xb4: {  	[sflag:s29] =	ssyncadd.s32 $0xFFFFFFFF  }
0xb5: {  	_ =	strace $0x90000048  }
0xb6: {  	_ =	sfence  }
0xb7: {  	s30 =	sld [smem:$0x0];
	_ =	sdelay $0x2  }
0xb8: {  	s31 =	sshll.u32 s1, $0xD;
	s1 =	sshrl.u32 s1, $0x2  }
0xb9: {  	s3 =	sand.u32 $0x4000, s31;
	s1 =	sadd.s32 s1, s30  }
0xba: {  	s0 =	sor.u32 s3, s0;
	s1 =	sshll.u32 s1, $0x11  }
0xbb: {  	s0 =	sor.u32 s1, s0  }
0xbc: {  	s0 =	sadd.s32 $0x8F2B, s0  }
0xbd: {  	[sflag:s0] =	ssyncadd.remote.s32 $0x1  }
0xbe: {  	_ =	sfence.sel $0xFFFF  }
0xbf: {  	[dreg:$0x0] =	wrdreg $0xFFFFFFFF;
	(pc) =	sbr.abs _section_cstart, $3  }
0xc0: {  	[dreg:$0x1] =	wrdreg $0xFFFFFFFF  }
0xc1: {  	_ =	task.clear_ibuf [dreg:s7], $0x2FFFF;
	_ =	strace $0x9FFFFFFF  }
0xc2: {  	(tm) =	ssettm $0x7FFFFFFF  }
0xc3: {  	_ =	shalt  }
tec
execute0_lowered:
.L_overlay_start_1:
0x0: {  	(tag) =	ssettag $0x1  }
0x1: {  	s1 =	srdreg.scid  }
0x2: {  	s0 =	stileid.u32;
	s4 =	sand.u32 $0x1, s1  }
0x3: {  	s1 =	sor.u32 s4, s0  }
0x4: {  	p1 =	seq.s32 s4, $0x1;
	p0 =	seq.s32 s1, $0x0  }
0x5: {  	p0 =	por !p0, !p1  }
0x6: {  	s5 =	rddreg [dreg:$0x0];
	s1 =	simm.s32 $0x1;
	p0 =	por !p0, !p0  }
0x7: {  	s7 =	rddreg [dreg:$0x1];
	s2 =	simm.s32 $0x0;
	s1 =	simm.s32 @!p0 $0x0  }
0x8: {  	s11 =	simm.s32 $0x0;
	s6 =	smul.u32 $0x3000, s4;
	s3 =	ssub.s32 s0, s1  }
0x9: {  	s10 =	smul.u32 $0x6000, s4;
	s4 =	ssub.s32 $0x2, s4;
	s1 =	sshrl.u32 s3, $0x3  }
0xa: {  	[smem:$0x7FF] =	sst s2;
	s31 =	sshrl.u32 s4, $0x1;
	s8 =	smul.u32 $0x1800, s1  }
0xb: {  	s9 =	smul.u32 $0x180000, s3;
	s3 =	sshll.u32 s3, $0x7;
	s1 =	rddreg [dreg:$0x2]  }
0xc: {  	_ =	strace $0x80000047;
	s29 =	sand.u32 $0x380, s3;
	s6 =	sadd.s32 s6, s8  }
0xd: {  	s3 =	simm.s32 $0x1;
	s30 =	sor.u32 s9, s10;
	s6 =	sor.u32 s29, s6  }
0xe: {  	s9 =	simm.s32 $0x6000;
	s8 =	sadd.s32 $0x174000, s30;
	s6 =	sshrl.u32 s6, $0x3  }
0xf: {  	s10 =	simm.s32 $0x2;
	s8 =	sshrl.u32 s8, $0x3;
	s6 =	sadd.s32 s6, s7  }
0x10: {  	s7 =	ssub.s32 s4, s31;
	s4 =	sadd.s32 s5, s8;
	s8 =	simm.s32 $0x400  }
0x11: {  	s5 =	sadd.s32 $0xA00, s6;
	s6 =	smax.u32 s7, $0x1;
	s7 =	simm.s32 $0x80  }
.LBB2_1:
0x12: {  	[tilespmem:s2], [sflag:$0x1] =	stream.linear.gather [hbm4b:s4+s2], $0x6000, $0x38;
	[tilespmem:$0x6300] =	vst v63  }
0x13: {  	s12 =	simm.s32 $0x0  }
0x14: {  	s12 =	smul.u32 $0x6000, s12  }
0x15: {  	_ =	swait.ge [sflag:s3], $0x6000  }
0x16: {  	s13 =	sand.u32 $0x380, s2;
	[sflag:s3] =	ssyncset.done $0x0;
	s12 =	sshra.s32 s12, $0x2  }
0x17: {  	[sflag:s3] =	ssyncadd.s32 $0xFFFFA000;
	s12 =	sor.u32 s13, s12  }
0x18: {  	v1 =	vld [tilespmem:s12+$0x870]  }
0x19: {  	v2 =	vld [tilespmem:s12+$0x0]  }
0x1a: {  	v3 =	vld [tilespmem:s12+$0x10]  }
0x1b: {  	v4 =	vld [tilespmem:s12+$0x20]  }
0x1c: {  	v5 =	vld [tilespmem:s12+$0x30]  }
0x1d: {  	v6 =	vld [tilespmem:s12+$0x40]  }
0x1e: {  	v7 =	vld [tilespmem:s12+$0x50]  }
0x1f: {  	v8 =	vld [tilespmem:s12+$0x60]  }
0x20: {  	v16 =	vld [tilespmem:s12+$0x70]  }
0x21: {  	v17 =	vld [tilespmem:s12+$0x400]  }
0x22: {  	v18 =	vld [tilespmem:s12+$0x410]  }
0x23: {  	v0 =	vimm.f32 $0.0e+00;
	v19 =	vld [tilespmem:s12+$0x420]  }
0x24: {  	v20 =	vld [tilespmem:s12+$0x430];
	v1 =	vadd.f32 v1, v0;
	v13 =	vadd.f32 v2, v0  }
0x25: {  	v21 =	vld [tilespmem:s12+$0x440];
	v9 =	vadd.f32 v3, v0;
	v14 =	vadd.f32 v4, v0  }
0x26: {  	v10 =	vadd.f32 v5, v0;
	v15 =	vadd.f32 v6, v0  }
0x27: {  	v24 =	vimm.f32 $0.0e+00;
	v4 =	vld [tilespmem:s12+$0x450];
	v11 =	vadd.f32 v7, v0;
	v12 =	vadd.f32 v8, v0  }
0x28: {  	v22 =	vimm.f32 $0.0e+00;
	v26 =	vld [tilespmem:s12+$0x460];
	v5 =	vadd.f32 v16, v0;
	v6 =	vadd.f32 v17, v0  }
0x29: {  	v23 =	vimm.f32 $0.0e+00;
	v27 =	vld [tilespmem:s12+$0x470];
	v2 =	vadd.f32 v18, v0;
	v7 =	vadd.f32 v19, v0  }
0x2a: {  	v25 =	vld [tilespmem:s12+$0x800];
	v3 =	vadd.f32 v20, v0;
	v8 =	vadd.f32 v21, v0;
	v21 =	vimm.f32 $0.0e+00  }
0x2b: {  	v28 =	vld [tilespmem:s12+$0x810];
	v19 =	vimm.f32 $0.0e+00;
	v20 =	vimm.f32 $0.0e+00;
	v16 =	vimm.f32 $0.0e+00  }
0x2c: {  	s15 =	simm.s32 $0x0;
	s14 =	simm.s32 $0x2;
	s13 =	simm.s32 $0x0;
	v29 =	vld [tilespmem:s12+$0x820];
	v17 =	vimm.f32 $0.0e+00;
	v18 =	vimm.f32 $0.0e+00;
	v4 =	vadd.f32 v4, v0  }
.LBB2_2:
0x2d: {  	p0 =	sne.s32 s14, $0x1F;
	s15 =	smul.u32 $0x6000, s15;
	v24 =	vadd.f32 v26, v24;
	v26 =	vld [tilespmem:s12+$0x830]  }
0x2e: {  	s13 =	sadd.s32 $0x80, s13;
	v21 =	vadd.f32 v27, v21;
	v27 =	vld [tilespmem:s12+$0x840]  }
0x2f: {  	s16 =	sand.u32 $0x380, s13;
	s15 =	sshra.s32 s15, $0x2;
	v22 =	vadd.f32 v25, v22;
	v25 =	vld [tilespmem:s12+$0x850]  }
0x30: {  	v19 =	vadd.f32 v28, v19;
	v28 =	vld [tilespmem:s12+$0x860];
	s12 =	sor.u32 s16, s15  }
0x31: {  	v30 =	vld [tilespmem:s12+$0x870];
	v20 =	vadd.f32 v29, v20  }
0x32: {  	v29 =	vld [tilespmem:s12+$0x0];
	v16 =	vadd.f32 v26, v16  }
0x33: {  	v26 =	vld [tilespmem:s12+$0x10];
	v23 =	vadd.f32 v27, v23  }
0x34: {  	v27 =	vld [tilespmem:s12+$0x20];
	v17 =	vadd.f32 v25, v17  }
0x35: {  	v25 =	vld [tilespmem:s12+$0x30];
	v18 =	vadd.f32 v28, v18  }
0x36: {  	v28 =	vld [tilespmem:s12+$0x40];
	v1 =	vadd.f32 v30, v1  }
0x37: {  	v13 =	vadd.f32 v29, v13;
	v29 =	vld [tilespmem:s12+$0x50]  }
0x38: {  	v9 =	vadd.f32 v26, v9;
	v26 =	vld [tilespmem:s12+$0x60]  }
0x39: {  	v14 =	vadd.f32 v27, v14;
	v27 =	vld [tilespmem:s12+$0x70]  }
0x3a: {  	v10 =	vadd.f32 v25, v10;
	v25 =	vld [tilespmem:s12+$0x400]  }
0x3b: {  	v15 =	vadd.f32 v28, v15;
	v28 =	vld [tilespmem:s12+$0x410]  }
0x3c: {  	v11 =	vadd.f32 v29, v11;
	v29 =	vld [tilespmem:s12+$0x420]  }
0x3d: {  	v12 =	vadd.f32 v26, v12;
	v30 =	vld [tilespmem:s12+$0x430]  }
0x3e: {  	v5 =	vadd.f32 v27, v5;
	v31 =	vld [tilespmem:s12+$0x440]  }
0x3f: {  	v6 =	vadd.f32 v25, v6;
	v32 =	vld [tilespmem:s12+$0x450]  }
.Ltmp0:
0x40: {  	v2 =	vadd.f32 v28, v2;
	v26 =	vld [tilespmem:s12+$0x460];
	(pc) =	sbr.rel @p0 .LBB2_2-.Ltmp0, $4  }
0x41: {  	v7 =	vadd.f32 v29, v7;
	v27 =	vld [tilespmem:s12+$0x470]  }
0x42: {  	v3 =	vadd.f32 v30, v3;
	v25 =	vld [tilespmem:s12+$0x800]  }
0x43: {  	v8 =	vadd.f32 v31, v8;
	v28 =	vld [tilespmem:s12+$0x810]  }
0x44: {  	s15 =	sshrl.u32 s14, $0x3;
	s14 =	sadd.s32 $0x1, s14;
	v4 =	vadd.f32 v32, v4;
	v29 =	vld [tilespmem:s12+$0x820]  }
0x45: {  	s14 =	smul.u32 $0x6000, s15;
	v30 =	vld [tilespmem:s12+$0x830]  }
0x46: {  	v31 =	vld [tilespmem:s12+$0x840];
	s13 =	sadd.s32 $0x80, s13  }
0x47: {  	v32 =	vld [tilespmem:s12+$0x850];
	s13 =	sand.u32 $0x380, s13;
	s14 =	sshra.s32 s14, $0x2  }
0x48: {  	v33 =	vld [tilespmem:s12+$0x860];
	s13 =	sor.u32 s13, s14  }
0x49: {  	v34 =	vld [tilespmem:s13+$0x870]  }
0x4a: {  	v35 =	vld [tilespmem:s13+$0x0]  }
0x4b: {  	v36 =	vld [tilespmem:s13+$0x10]  }
0x4c: {  	v37 =	vld [tilespmem:s13+$0x20]  }
0x4d: {  	v38 =	vld [tilespmem:s13+$0x30]  }
0x4e: {  	v39 =	vld [tilespmem:s13+$0x40]  }
0x4f: {  	v40 =	vld [tilespmem:s13+$0x50]  }
0x50: {  	v41 =	vld [tilespmem:s13+$0x60]  }
0x51: {  	v43 =	vld [tilespmem:s13+$0x400]  }
0x52: {  	v42 =	vld [tilespmem:s13+$0x70]  }
0x53: {  	v44 =	vld [tilespmem:s13+$0x410]  }
0x54: {  	v45 =	vld [tilespmem:s13+$0x420];
	v1 =	vadd.f32 v34, v1  }
0x55: {  	v46 =	vld [tilespmem:s13+$0x430]  }
0x56: {  	v47 =	vld [tilespmem:s13+$0x440];
	[tilespmem:$0x1FF00] =	vst v1;
	v1 =	vadd.f32 v43, v6  }
0x57: {  	v48 =	vld [tilespmem:s13+$0x450]  }
0x58: {  	v49 =	vld [tilespmem:s13+$0x460];
	[tilespmem:$0x1FF10] =	vst v1;
	v1 =	vadd.f32 v44, v2  }
0x59: {  	v50 =	vld [tilespmem:s13+$0x470]  }
0x5a: {  	v51 =	vld [tilespmem:s13+$0x800];
	[tilespmem:$0x1FF20] =	vst v1;
	v1 =	vadd.f32 v45, v7  }
0x5b: {  	v52 =	vld [tilespmem:s13+$0x810]  }
0x5c: {  	s29 =	simm.s32 $0x0;
	v53 =	vld [tilespmem:s13+$0x820];
	[tilespmem:$0x1FF30] =	vst v1;
	v1 =	vadd.f32 v46, v3  }
0x5d: {  	s30 =	smul.u32 $0x6000, s29;
	v55 =	vld [tilespmem:s13+$0x830]  }
0x5e: {  	v24 =	vadd.f32 v26, v24;
	s12 =	simm.s32 $0x0;
	v56 =	vld [tilespmem:s13+$0x840];
	[tilespmem:$0x1FF40] =	vst v1;
	v1 =	vadd.f32 v47, v8  }
0x5f: {  	v27 =	vadd.f32 v27, v21;
	s31 =	sand.u32 $0x380, s12;
	v54 =	vadd.f32 v25, v22;
	s14 =	sshra.s32 s30, $0x2;
	v57 =	vld [tilespmem:s13+$0x850]  }
0x60: {  	v28 =	vadd.f32 v28, v19;
	v58 =	vld [tilespmem:s13+$0x860];
	s13 =	sor.u32 s31, s14;
	[tilespmem:$0x1FF50] =	vst v1;
	v1 =	vadd.f32 v48, v4  }
0x61: {  	v29 =	vadd.f32 v29, v20;
	v30 =	vadd.f32 v30, v16;
	v63 =	vld [tilespmem:s13+$0x1470]  }
0x62: {  	v31 =	vadd.f32 v31, v23;
	v59 =	vld [tilespmem:s13+$0xC30];
	[tilespmem:$0x1FF60] =	vst v1;
	v1 =	vadd.f32 v49, v24  }
0x63: {  	v32 =	vadd.f32 v32, v17;
	v33 =	vadd.f32 v33, v18;
	v60 =	vld [tilespmem:s13+$0xC40]  }
0x64: {  	v61 =	vld [tilespmem:s13+$0xC50];
	v26 =	vadd.f32 v35, v13;
	[tilespmem:$0x1FF70] =	vst v1;
	v1 =	vadd.f32 v50, v27  }
0x65: {  	v62 =	vld [tilespmem:s13+$0x1040];
	v25 =	vadd.f32 v36, v9;
	v23 =	vadd.f32 v37, v14  }
0x66: {  	v13 =	vld [tilespmem:s13+$0xC00];
	v22 =	vadd.f32 v38, v10;
	[tilespmem:$0x1FF80] =	vst v1;
	v1 =	vadd.f32 v51, v54  }
0x67: {  	v21 =	vadd.f32 v39, v15;
	v14 =	vld [tilespmem:s13+$0xC10];
	v20 =	vadd.f32 v40, v11  }
0x68: {  	v19 =	vadd.f32 v41, v12;
	v15 =	vld [tilespmem:s13+$0xC20];
	[tilespmem:$0x1FF90] =	vst v1;
	v1 =	vadd.f32 v52, v28  }
0x69: {  	v18 =	vadd.f32 v42, v5;
	v3 =	vadd.f32 v63, v0;
	v63 =	vld [tilespmem:s13+$0x1050]  }
0x6a: {  	v42 =	vadd.f32 v61, v0;
	v24 =	vld [tilespmem:s13+$0xC60];
	[tilespmem:$0x1FFA0] =	vst v1;
	v1 =	vadd.f32 v53, v29  }
0x6b: {  	v35 =	vadd.f32 v62, v0;
	v43 =	vadd.f32 v60, v0;
	v27 =	vld [tilespmem:s13+$0xC70]  }
0x6c: {  	v44 =	vadd.f32 v59, v0;
	v28 =	vld [tilespmem:s13+$0x1000];
	[tilespmem:$0x1FFB0] =	vst v1;
	v1 =	vadd.f32 v55, v30  }
0x6d: {  	v45 =	vadd.f32 v15, v0;
	v46 =	vadd.f32 v14, v0;
	v29 =	vld [tilespmem:s13+$0x1010]  }
0x6e: {  	v47 =	vadd.f32 v13, v0;
	v30 =	vld [tilespmem:s13+$0x1020];
	[tilespmem:$0x1FFC0] =	vst v1;
	v1 =	vadd.f32 v56, v31  }
0x6f: {  	v34 =	vadd.f32 v63, v0;
	v41 =	vadd.f32 v24, v0;
	v31 =	vld [tilespmem:s13+$0x1030]  }
0x70: {  	v24 =	vimm.f32 $0.0e+00;
	v52 =	vld [tilespmem:s13+$0x1060];
	v40 =	vadd.f32 v27, v0;
	[tilespmem:$0x1FFD0] =	vst v1;
	v1 =	vadd.f32 v57, v32  }
0x71: {  	v51 =	vld [tilespmem:s13+$0x1070];
	v27 =	vimm.f32 $0.0e+00;
	v39 =	vadd.f32 v28, v0;
	v28 =	vimm.f32 $0.0e+00  }
0x72: {  	v48 =	vld [tilespmem:s13+$0x1400];
	v38 =	vadd.f32 v29, v0;
	v29 =	vimm.f32 $0.0e+00;
	[tilespmem:$0x1FFE0] =	vst v1;
	v1 =	vadd.f32 v58, v33  }
0x73: {  	v49 =	vld [tilespmem:s13+$0x1410];
	v32 =	vimm.f32 $0.0e+00;
	v37 =	vadd.f32 v30, v0;
	v30 =	vimm.f32 $0.0e+00  }
0x74: {  	s15 =	simm.s32 $0x0;
	s14 =	simm.s32 $0x2;
	v50 =	vld [tilespmem:s13+$0x1420];
	v33 =	vimm.f32 $0.0e+00;
	v36 =	vadd.f32 v31, v0;
	v31 =	vimm.f32 $0.0e+00;
	[tilespmem:$0x1FFF0] =	vst v1  }
.LBB2_4:
0x75: {  	p0 =	sne.s32 s14, $0x1F;
	s15 =	smul.u32 $0x6000, s15;
	v0 =	vadd.f32 v52, v0;
	v52 =	vld [tilespmem:s13+$0x1430]  }
0x76: {  	s12 =	sadd.s32 $0x80, s12;
	v33 =	vadd.f32 v51, v33;
	v51 =	vld [tilespmem:s13+$0x1440]  }
0x77: {  	s16 =	sand.u32 $0x380, s12;
	s15 =	sshra.s32 s15, $0x2;
	v32 =	vadd.f32 v48, v32;
	v48 =	vld [tilespmem:s13+$0x1450]  }
0x78: {  	v31 =	vadd.f32 v49, v31;
	v49 =	vld [tilespmem:s13+$0x1460];
	s13 =	sor.u32 s16, s15  }
0x79: {  	v53 =	vld [tilespmem:s13+$0x1470];
	v30 =	vadd.f32 v50, v30  }
0x7a: {  	v50 =	vld [tilespmem:s13+$0xC00];
	v28 =	vadd.f32 v52, v28  }
0x7b: {  	v52 =	vld [tilespmem:s13+$0xC10];
	v29 =	vadd.f32 v51, v29  }
0x7c: {  	v51 =	vld [tilespmem:s13+$0xC20];
	v27 =	vadd.f32 v48, v27  }
0x7d: {  	v48 =	vld [tilespmem:s13+$0xC30];
	v24 =	vadd.f32 v49, v24  }
0x7e: {  	v49 =	vld [tilespmem:s13+$0xC40];
	v3 =	vadd.f32 v53, v3  }
0x7f: {  	v47 =	vadd.f32 v50, v47;
	v50 =	vld [tilespmem:s13+$0xC50]  }
0x80: {  	v46 =	vadd.f32 v52, v46;
	v52 =	vld [tilespmem:s13+$0xC60]  }
0x81: {  	v45 =	vadd.f32 v51, v45;
	v51 =	vld [tilespmem:s13+$0xC70]  }
0x82: {  	v44 =	vadd.f32 v48, v44;
	v48 =	vld [tilespmem:s13+$0x1000]  }
0x83: {  	v43 =	vadd.f32 v49, v43;
	v49 =	vld [tilespmem:s13+$0x1010]  }
0x84: {  	v42 =	vadd.f32 v50, v42;
	v50 =	vld [tilespmem:s13+$0x1020]  }
0x85: {  	v41 =	vadd.f32 v52, v41;
	v53 =	vld [tilespmem:s13+$0x1030]  }
0x86: {  	v40 =	vadd.f32 v51, v40;
	v54 =	vld [tilespmem:s13+$0x1040]  }
0x87: {  	v39 =	vadd.f32 v48, v39;
	v55 =	vld [tilespmem:s13+$0x1050]  }
.Ltmp1:
0x88: {  	v38 =	vadd.f32 v49, v38;
	v52 =	vld [tilespmem:s13+$0x1060];
	(pc) =	sbr.rel @p0 .LBB2_4-.Ltmp1, $4  }
0x89: {  	v37 =	vadd.f32 v50, v37;
	v51 =	vld [tilespmem:s13+$0x1070]  }
0x8a: {  	v36 =	vadd.f32 v53, v36;
	v48 =	vld [tilespmem:s13+$0x1400]  }
0x8b: {  	v35 =	vadd.f32 v54, v35;
	v49 =	vld [tilespmem:s13+$0x1410]  }
0x8c: {  	s15 =	sshrl.u32 s14, $0x3;
	s14 =	sadd.s32 $0x1, s14;
	v34 =	vadd.f32 v55, v34;
	v50 =	vld [tilespmem:s13+$0x1420]  }
0x8d: {  	s14 =	smul.u32 $0x6000, s15;
	v53 =	vld [tilespmem:s13+$0x1430]  }
0x8e: {  	v54 =	vld [tilespmem:s13+$0x1440];
	s12 =	sadd.s32 $0x80, s12  }
0x8f: {  	v55 =	vld [tilespmem:s13+$0x1450];
	s12 =	sand.u32 $0x380, s12;
	s14 =	sshra.s32 s14, $0x2  }
0x90: {  	v56 =	vld [tilespmem:s13+$0x1460];
	s12 =	sor.u32 s12, s14  }
0x91: {  	v57 =	vld [tilespmem:s12+$0x1470]  }
0x92: {  	v58 =	vld [tilespmem:s12+$0xC00]  }
0x93: {  	v59 =	vld [tilespmem:s12+$0xC10]  }
0x94: {  	v60 =	vld [tilespmem:s12+$0xC20]  }
0x95: {  	v61 =	vld [tilespmem:s12+$0xC30]  }
0x96: {  	v62 =	vld [tilespmem:s12+$0xC40]  }
0x97: {  	v63 =	vld [tilespmem:s12+$0xC50]  }
0x98: {  	v1 =	vld [tilespmem:s12+$0xC60]  }
0x99: {  	v2 =	vld [tilespmem:s12+$0xC70]  }
0x9a: {  	v4 =	vld [tilespmem:s12+$0x1000]  }
0x9b: {  	v5 =	vld [tilespmem:s12+$0x1010]  }
0x9c: {  	v6 =	vld [tilespmem:s12+$0x1020]  }
0x9d: {  	v7 =	vld [tilespmem:s12+$0x1030]  }
0x9e: {  	v8 =	vld [tilespmem:s12+$0x1040]  }
0x9f: {  	v9 =	vld [tilespmem:s12+$0x1050]  }
0xa0: {  	v10 =	vld [tilespmem:s12+$0x1060]  }
0xa1: {  	v11 =	vld [tilespmem:s12+$0x1070]  }
0xa2: {  	v12 =	vld [tilespmem:s12+$0x1400]  }
0xa3: {  	v13 =	vld [tilespmem:s12+$0x1410]  }
0xa4: {  	v14 =	vld [tilespmem:s12+$0x1420]  }
0xa5: {  	v15 =	vld [tilespmem:s12+$0x1430]  }
0xa6: {  	v16 =	vld [tilespmem:s12+$0x1440]  }
0xa7: {  	v17 =	vld [tilespmem:s12+$0x1450]  }
0xa8: {  	v47 =	vadd.f32 v58, v47;
	v58 =	vld [tilespmem:s12+$0x1460];
	[tilespmem:$0x6000] =	vst v26  }
0xa9: {  	[tilespmem:$0x6010] =	vst v25  }
0xaa: {  	v0 =	vadd.f32 v52, v0;
	[tilespmem:$0x6020] =	vst v23  }
0xab: {  	v52 =	vadd.f32 v54, v29;
	v54 =	vadd.f32 v55, v27;
	v55 =	vld [tilespmem:$0x1FFD0];
	[tilespmem:$0x6030] =	vst v22  }
0xac: {  	[tilespmem:$0x6040] =	vst v21  }
0xad: {  	[tilespmem:$0x6050] =	vst v20  }
0xae: {  	[tilespmem:$0x6060] =	vst v19  }
0xaf: {  	[tilespmem:$0x6070] =	vst v18  }
0xb0: {  	v59 =	vadd.f32 v59, v46;
	[tilespmem:$0x6140] =	vst v55  }
0xb1: {  	v60 =	vadd.f32 v60, v45;
	[tilespmem:$0x6180] =	vst v47  }
0xb2: {  	v61 =	vadd.f32 v61, v44;
	[tilespmem:$0x6190] =	vst v59  }
0xb3: {  	v62 =	vadd.f32 v62, v43;
	[tilespmem:$0x61A0] =	vst v60  }
0xb4: {  	v63 =	vadd.f32 v63, v42;
	[tilespmem:$0x61B0] =	vst v61  }
0xb5: {  	v1 =	vadd.f32 v1, v41;
	[tilespmem:$0x61C0] =	vst v62  }
0xb6: {  	v2 =	vadd.f32 v2, v40;
	[tilespmem:$0x61D0] =	vst v63  }
0xb7: {  	v20 =	vadd.f32 v4, v39;
	[tilespmem:$0x61E0] =	vst v1  }
0xb8: {  	v22 =	vadd.f32 v5, v38;
	[tilespmem:$0x61F0] =	vst v2  }
0xb9: {  	v25 =	vadd.f32 v6, v37;
	[tilespmem:$0x6200] =	vst v20  }
0xba: {  	v36 =	vadd.f32 v7, v36;
	[tilespmem:$0x6210] =	vst v22  }
0xbb: {  	v38 =	vadd.f32 v8, v35;
	[tilespmem:$0x6220] =	vst v25  }
0xbc: {  	v40 =	vadd.f32 v9, v34;
	v42 =	vadd.f32 v51, v33;
	[tilespmem:$0x6230] =	vst v36  }
0xbd: {  	v0 =	vadd.f32 v10, v0;
	v44 =	vadd.f32 v48, v32;
	[tilespmem:$0x6240] =	vst v38  }
0xbe: {  	v46 =	vadd.f32 v49, v31;
	[tilespmem:$0x6250] =	vst v40;
	v1 =	vadd.f32 v11, v42  }
0xbf: {  	v21 =	vld [tilespmem:$0x1FF10];
	[tilespmem:$0x6260] =	vst v0;
	v2 =	vadd.f32 v12, v44  }
0xc0: {  	v23 =	vld [tilespmem:$0x1FF20];
	v0 =	vadd.f32 v13, v46;
	[tilespmem:$0x6270] =	vst v1  }
0xc1: {  	v26 =	vld [tilespmem:$0x1FF30];
	v62 =	vadd.f32 v57, v3;
	[tilespmem:$0x6280] =	vst v2  }
0xc2: {  	v37 =	vld [tilespmem:$0x1FF40];
	[tilespmem:$0x6290] =	vst v0  }
0xc3: {  	v39 =	vld [tilespmem:$0x1FF50];
	[tilespmem:$0x62F0] =	vst v62  }
0xc4: {  	v41 =	vld [tilespmem:$0x1FF60];
	[tilespmem:$0x6080] =	vst v21  }
0xc5: {  	v43 =	vld [tilespmem:$0x1FF70];
	[tilespmem:$0x6090] =	vst v23  }
0xc6: {  	v45 =	vld [tilespmem:$0x1FF80];
	[tilespmem:$0x60A0] =	vst v26  }
0xc7: {  	v49 =	vld [tilespmem:$0x1FFA0];
	[tilespmem:$0x60B0] =	vst v37  }
0xc8: {  	v51 =	vld [tilespmem:$0x1FFB0];
	[tilespmem:$0x60C0] =	vst v39  }
0xc9: {  	v48 =	vadd.f32 v50, v30;
	v50 =	vadd.f32 v53, v28;
	v53 =	vld [tilespmem:$0x1FFC0];
	[tilespmem:$0x60D0] =	vst v41  }
0xca: {  	[tilespmem:$0x60E0] =	vst v43  }
0xcb: {  	[tilespmem:$0x60F0] =	vst v45  }
0xcc: {  	[tilespmem:$0x6110] =	vst v49  }
0xcd: {  	v47 =	vld [tilespmem:$0x1FF90];
	v1 =	vadd.f32 v14, v48;
	[tilespmem:$0x6120] =	vst v51  }
0xce: {  	v59 =	vld [tilespmem:$0x1FFE0];
	v2 =	vadd.f32 v15, v50;
	[tilespmem:$0x6130] =	vst v53  }
0xcf: {  	v61 =	vld [tilespmem:$0x1FFF0];
	v0 =	vadd.f32 v16, v52;
	[tilespmem:$0x62A0] =	vst v1  }
0xd0: {  	[tilespmem:$0x62B0] =	vst v2  }
0xd1: {  	v56 =	vadd.f32 v56, v24;
	v63 =	vld [tilespmem:$0x1FF00];
	[tilespmem:$0x62C0] =	vst v0  }
0xd2: {  	[tilespmem:$0x6100] =	vst v47  }
0xd3: {  	v60 =	vadd.f32 v58, v56;
	[tilespmem:$0x6150] =	vst v59  }
0xd4: {  	[tilespmem:$0x6160] =	vst v61  }
0xd5: {  	s11 =	sadd.s32 $0x1, s11;
	v1 =	vadd.f32 v17, v54;
	[tilespmem:$0x62E0] =	vst v60  }
0xd6: {  	p0 =	sne.s32 s11, s6;
	[tilespmem:$0x6170] =	vst v63  }
.Ltmp2:
0xd7: {  	[tilespmem:$0x62D0] =	vst v1;
	(pc) =	sbr.rel @p0 .LBB2_1-.Ltmp2, $4  }
0xd8: {  	[hbm4b:s5+s7] =	stream.strided.scatter [tilespmem:s9], [sflag:$0x2], $0x300, s8, s7, $0x38;
	[tilespmem:$0x6300] =	vst v63  }
0xd9: {  	_ =	swait.ge [sflag:s10], $0x300  }
0xda: {  	[sflag:s10] =	ssyncset.done $0x0  }
0xdb: {  	[sflag:s10] =	ssyncadd.s32 $0xFFFFFD00  }
0xdc: {  	_ =	sfence.sel $0x180000  }
0xdd: {  	[bflag:$0x0] =	sbarrier.arrive $0xFFFF  }
0xde: {  	p0 =	sne.s32 s0, $0x0;
	_ =	strace $0x90000047  }
0xdf: {  	s0 =	sadd.s32 @!p0 $0x100000, s1;
	[bflag:$0x2] =	sbarrier.arrive $0xFFFF  }
0xe0: {  	[sflag:s0] =	ssyncadd.tile.s32 @!p0 $0x1;
	_ =	shalt  }
.Lfunc_end2:
_tile_overlayer_lowered:
.L_overlay_start_2:
0xe1: {  	(tag) =	ssettag $0x2  }
0xe2: {  	s0 =	rddreg [dreg:$0x0];
	s2 =	stileid.u32  }
0xe3: {  	s1 =	rddreg [dreg:$0x1];
	p0 =	sne.s32 s2, $0x0  }
0xe4: {  	s3 =	rddreg [dreg:$0x2];
	[bflag:$0x3] =	sbarrier.arrive $0xFFFF;
	s2 =	simm.s32 @!p0 $0x1C02  }
0xe5: {  	[timem:s3], [sflag:s2] =	dma.local @!p0 [hbm:s0], s1  }
0xe6: {  	s0 =	simm.s32 @!p0 $0x2  }
0xe7: {  	_ =	swait.ge @!p0 [sflag:s0], s1  }
0xe8: {  	s1 =	ssub.s32 @!p0 $0x0, s1;
	[sflag:s0] =	ssyncset.done @!p0 $0x0  }
0xe9: {  	[sflag:s0] =	ssyncadd.s32 @!p0 s1  }
0xea: {  	[bflag:$0x3] =	sbarrier.arrive $0xFFFF  }
0xeb: {  	_ =	shalt  }

</sc_bundles>
